<compile_context>
chip_gen: v7x
topology: tpu7x:2x2x1
jax: 0.10.2.dev20260603
libtpu: 0.0.44.dev20260713+nightly
codegen_flags: <defaults>
</compile_context>

<pallas_src>
import functools

import jax
import jax.numpy as jnp
from jax import lax
from jax.experimental import pallas as pl
from jax.experimental.pallas import tpu as pltpu
from jax.experimental.pallas import tpu_sc as plsc

_NC = 2
_NS = 16
_NW = _NC * _NS
_K = 400


def _sc_mesh():
    return plsc.VectorSubcoreMesh(
        core_axis_name="c", subcore_axis_name="s",
        num_cores=_NC, num_subcores=_NS)


def _project(x, wa_t, wb_t):
    n, c = x.shape

    def body(x_ref, wa_ref, wb_ref, px_ref, qx_ref):
        xv = x_ref[...]
        px_ref[...] = jnp.dot(xv, wa_ref[...], preferred_element_type=jnp.float32)
        qx_ref[...] = jnp.dot(xv, wb_ref[...], preferred_element_type=jnp.float32)

    return pl.pallas_call(
        body,
        out_shape=(jax.ShapeDtypeStruct((n, c), jnp.float32),
                   jax.ShapeDtypeStruct((n, c), jnp.float32)),
    )(x, wa_t, wb_t)


def _gather_add(px, qx, src, dst):
    n, c = px.shape
    e = src.shape[0]
    kk = 200
    epw = e // _NW
    nch = epw // kk
    assert nch % 2 == 0
    nstep = nch // 2
    c16 = c // 16

    @functools.partial(
        pl.kernel,
        out_type=jax.ShapeDtypeStruct((e, c), jnp.float32),
        mesh=_sc_mesh(),
        scratch_types=[
            pltpu.VMEM((kk,), jnp.int32),
            pltpu.VMEM((kk,), jnp.int32),
            pltpu.VMEM((kk,), jnp.int32),
            pltpu.VMEM((kk,), jnp.int32),
            pltpu.VMEM((kk, c), jnp.float32),
            pltpu.VMEM((kk, c), jnp.float32),
            pltpu.VMEM((kk, c), jnp.float32),
            pltpu.VMEM((kk, c), jnp.float32),
            pltpu.SemaphoreType.DMA,
            pltpu.SemaphoreType.DMA,
            pltpu.SemaphoreType.DMA,
            pltpu.SemaphoreType.DMA,
            pltpu.SemaphoreType.DMA,
        ],
    )
    def run(px_hbm, qx_hbm, src_hbm, dst_hbm, g_hbm,
            idx_s0, idx_s1, idx_d0, idx_d1, p0, q0, p1, q1,
            sem_a, sem_b, sem_i, sem_w0, sem_w1):
        idx_s = (idx_s0, idx_s1)
        idx_d = (idx_d0, idx_d1)
        wid = lax.axis_index("s") * _NC + lax.axis_index("c")
        base0 = wid * epw

        def add_rows(pr, qr):
            def add_row(i, carry2):
                for t in range(c16):
                    sl = pl.ds(t * 16, 16)
                    pr[i, sl] = pr[i, sl] + qr[i, sl]
                return carry2
            lax.fori_loop(0, kk, add_row, 0)

        def load_idx(j, slot):
            base = base0 + j * kk
            pltpu.async_copy(src_hbm.at[pl.ds(base, kk)], idx_s[slot],
                             sem_i).wait()
            pltpu.async_copy(dst_hbm.at[pl.ds(base, kk)], idx_d[slot],
                             sem_i).wait()

        def start_gather(slot, pr, qr):
            sem = sem_a if slot == 0 else sem_b
            pltpu.async_copy(px_hbm.at[idx_s[slot]], pr, sem)
            pltpu.async_copy(qx_hbm.at[idx_d[slot]], qr, sem)

        def wait_gather(slot, pr, qr):
            sem = sem_a if slot == 0 else sem_b
            pltpu.make_async_copy(px_hbm.at[idx_s[slot]], pr, sem).wait()
            pltpu.make_async_copy(qx_hbm.at[idx_d[slot]], qr, sem).wait()

        load_idx(0, 0)
        start_gather(0, p0, q0)

        def pair(jj, carry):
            j0 = 2 * jj
            j1 = j0 + 1
            j2 = j0 + 2
            g_j0 = g_hbm.at[pl.ds(base0 + j0 * kk, kk)]
            g_j1 = g_hbm.at[pl.ds(base0 + j1 * kk, kk)]

            @pl.when(jj > 0)
            def _():
                pltpu.make_async_copy(
                    p1, g_hbm.at[pl.ds(base0 + (j1 - 2) * kk, kk)],
                    sem_w1).wait()
            load_idx(j1, 1)
            start_gather(1, p1, q1)

            wait_gather(0, p0, q0)
            add_rows(p0, q0)
            pltpu.async_copy(p0, g_j0, sem_w0)

            @pl.when(jj + 1 < nstep)
            def _():
                load_idx(j2, 0)
                pltpu.make_async_copy(p0, g_j0, sem_w0).wait()
                start_gather(0, p0, q0)

            wait_gather(1, p1, q1)
            add_rows(p1, q1)
            pltpu.async_copy(p1, g_j1, sem_w1)

            @pl.when(jj + 1 == nstep)
            def _():
                pltpu.make_async_copy(p0, g_j0, sem_w0).wait()
                pltpu.make_async_copy(p1, g_j1, sem_w1).wait()
            return carry

        lax.fori_loop(0, nstep, pair, 0)

    return run(px, qx, src, dst)


def _edge_mlp(g, ea, c0_t, b0, w1_t, b1, w2_t, b2, w3_t, b3, lnw, lnb):
    e, c = ea.shape
    blk = 4000
    grid = e // blk

    def body(g_ref, ea_ref, c0_ref, b0_ref, w1_ref, b1_ref, w2_ref, b2_ref,
             w3_ref, b3_ref, lnw_ref, lnb_ref, e_ref):
        ea_v = ea_ref[...]
        h = (g_ref[...] + b0_ref[...]
             + jnp.dot(ea_v.astype(jnp.bfloat16), c0_ref[...],
                       preferred_element_type=jnp.float32))
        h = jnp.maximum(h, 0.0).astype(jnp.bfloat16)
        h = jnp.dot(h, w1_ref[...], preferred_element_type=jnp.float32) + b1_ref[...]
        h = jnp.maximum(h, 0.0).astype(jnp.bfloat16)
        h = jnp.dot(h, w2_ref[...], preferred_element_type=jnp.float32) + b2_ref[...]
        h = jnp.maximum(h, 0.0).astype(jnp.bfloat16)
        h = jnp.dot(h, w3_ref[...], preferred_element_type=jnp.float32) + b3_ref[...]
        mu = jnp.mean(h, axis=-1, keepdims=True)
        hc = h - mu
        var = jnp.mean(hc * hc, axis=-1, keepdims=True)
        hn = hc * lax.rsqrt(var + 1e-5)
        e_ref[...] = ea_v + hn * lnw_ref[...] + lnb_ref[...]

    full = pl.BlockSpec((c, c), lambda i: (0, 0))
    vec = pl.BlockSpec((1, c), lambda i: (0, 0))
    ebs = pl.BlockSpec((blk, c), lambda i: (i, 0))
    return pl.pallas_call(
        body,
        grid=(grid,),
        in_specs=[ebs, ebs, full, vec, full, vec, full, vec, full, vec, vec, vec],
        out_specs=ebs,
        out_shape=jax.ShapeDtypeStruct((e, c), jnp.float32),
    )(g, ea, c0_t, b0, w1_t, b1, w2_t, b2, w3_t, b3, lnw, lnb)


def _segment_sum(e_rows, dst, zeros, n):
    e, c = e_rows.shape
    kk = 128
    ept = e // _NW
    nch = ept // kk
    tail = ept - nch * kk
    rpt = (n // _NS) // 8 * 8
    rtail = n - rpt * _NS

    @functools.partial(
        pl.kernel,
        out_type=jax.ShapeDtypeStruct((_NC * n, c), jnp.float32),
        mesh=_sc_mesh(),
        scratch_types=[
            pltpu.VMEM((2, kk), jnp.int32),
            pltpu.VMEM((kk, c), jnp.float32),
            pltpu.VMEM((kk, c), jnp.float32),
            pltpu.VMEM((tail,), jnp.int32) if tail else None,
            pltpu.VMEM((tail, c), jnp.float32) if tail else None,
            pltpu.VMEM_SHARED((n, c), jnp.float32),
            pltpu.SemaphoreType.DMA,
            pltpu.SemaphoreType.DMA,
            pltpu.SemaphoreType.DMA,
            pltpu.SemaphoreType.DMA,
        ],
    )
    def run(e_hbm, dst_hbm, z_hbm, out_hbm, idx2, upd_a, upd_b, idx_t, upd_t,
            acc, sem_i, sem_ua, sem_ub, sem_s):
        ci = lax.axis_index("c")
        s = lax.axis_index("s")
        pltpu.sync_copy(z_hbm.at[pl.ds(s * rpt, rpt)], acc.at[pl.ds(s * rpt, rpt)])
        if rtail:
            @pl.when(s == 0)
            def _():
                pltpu.sync_copy(z_hbm.at[pl.ds(rpt * _NS, rtail)],
                                acc.at[pl.ds(rpt * _NS, rtail)])
        plsc.subcore_barrier()

        base0 = (ci * _NS + s) * ept
        nstep = nch // 2

        pltpu.sync_copy(dst_hbm.at[pl.ds(base0, kk)], idx2.at[0])
        pltpu.async_copy(e_hbm.at[pl.ds(base0, kk)], upd_a, sem_ua).wait()

        def pair(jj, carry):
            j0 = 2 * jj
            b1 = base0 + (j0 + 1) * kk
            b2 = base0 + (j0 + 2) * kk
            pltpu.async_copy(dst_hbm.at[pl.ds(b1, kk)], idx2.at[1], sem_i).wait()
            cp_b = pltpu.async_copy(e_hbm.at[pl.ds(b1, kk)], upd_b, sem_ub)
            pltpu.async_copy(upd_a, acc.at[idx2.at[0]], sem_s, add=True).wait()
            cp_b.wait()

            @pl.when(jj + 1 < nstep)
            def _():
                pltpu.async_copy(dst_hbm.at[pl.ds(b2, kk)], idx2.at[0],
                                 sem_i).wait()
                pltpu.async_copy(e_hbm.at[pl.ds(b2, kk)], upd_a, sem_ua)
            pltpu.async_copy(upd_b, acc.at[idx2.at[1]], sem_s, add=True).wait()

            @pl.when(jj + 1 < nstep)
            def _():
                pltpu.make_async_copy(e_hbm.at[pl.ds(b2, kk)], upd_a,
                                      sem_ua).wait()
            return carry

        lax.fori_loop(0, nstep, pair, 0)
        if tail:
            base = base0 + nch * kk
            pltpu.sync_copy(dst_hbm.at[pl.ds(base, tail)], idx_t)
            pltpu.sync_copy(e_hbm.at[pl.ds(base, tail)], upd_t)
            pltpu.sync_copy(upd_t, acc.at[idx_t], add=True)
        plsc.subcore_barrier()
        pltpu.sync_copy(acc.at[pl.ds(s * rpt, rpt)],
                        out_hbm.at[pl.ds(ci * n + s * rpt, rpt)])
        if rtail:
            @pl.when(s == 0)
            def _():
                pltpu.sync_copy(acc.at[pl.ds(rpt * _NS, rtail)],
                                out_hbm.at[pl.ds(ci * n + rpt * _NS, rtail)])

    return run(e_rows, dst, zeros).reshape(_NC, n, c)


def _node_mlp(x, partials, va_t, vb_t, b0, w1_t, b1, w2_t, b2,
              w3_t, b3, lnw, lnb):
    n, c = x.shape
    blk = 2000
    grid = n // blk

    def body(x_ref, p_ref, va_ref, vb_ref, b0_ref, w1_ref, b1_ref,
             w2_ref, b2_ref, w3_ref, b3_ref, lnw_ref, lnb_ref, o_ref):
        xv = x_ref[...]
        agg = p_ref[0] + p_ref[1]
        h = (jnp.dot(xv, va_ref[...], preferred_element_type=jnp.float32)
             + jnp.dot(agg, vb_ref[...], preferred_element_type=jnp.float32)
             + b0_ref[...])
        h = jnp.maximum(h, 0.0)
        h = jnp.dot(h, w1_ref[...], preferred_element_type=jnp.float32) + b1_ref[...]
        h = jnp.maximum(h, 0.0)
        h = jnp.dot(h, w2_ref[...], preferred_element_type=jnp.float32) + b2_ref[...]
        h = jnp.maximum(h, 0.0)
        h = jnp.dot(h, w3_ref[...], preferred_element_type=jnp.float32) + b3_ref[...]
        mu = jnp.mean(h, axis=-1, keepdims=True)
        hc = h - mu
        var = jnp.mean(hc * hc, axis=-1, keepdims=True)
        hn = hc * lax.rsqrt(var + 1e-5)
        o_ref[...] = xv + hn * lnw_ref[...] + lnb_ref[...]

    full = pl.BlockSpec((c, c), lambda i: (0, 0))
    vec = pl.BlockSpec((1, c), lambda i: (0, 0))
    nbs = pl.BlockSpec((blk, c), lambda i: (i, 0))
    pbs = pl.BlockSpec((_NC, blk, c), lambda i: (0, i, 0))
    return pl.pallas_call(
        body,
        grid=(grid,),
        in_specs=[nbs, pbs, full, full, vec, full, vec, full, vec, full,
                  vec, vec, vec],
        out_specs=nbs,
        out_shape=jax.ShapeDtypeStruct((n, c), jnp.float32),
    )(x, partials, va_t, vb_t, b0, w1_t, b1, w2_t, b2, w3_t, b3,
      lnw, lnb)


def kernel(x, edge_attr, edge_index, params):
    n, c = x.shape
    ep = params["edge"]
    np_ = params["node"]
    w0 = ep["W"][0]
    wa_t = w0[:, :c].T
    wb_t = w0[:, c:2 * c].T
    c0_t = w0[:, 2 * c:].T
    v0 = np_["W"][0]
    va_t = v0[:, :c].T
    vb_t = v0[:, c:].T

    def row(v):
        return v.reshape(1, c)

    src = edge_index[0]
    dst = edge_index[1]

    px, qx = _project(x, wa_t, wb_t)
    bf = jnp.bfloat16
    edge_w = (c0_t.astype(bf), row(ep["b"][0]),
              ep["W"][1].T.astype(bf), row(ep["b"][1]),
              ep["W"][2].T.astype(bf), row(ep["b"][2]),
              ep["W"][3].T.astype(bf), row(ep["b"][3]),
              row(ep["ln_w"]), row(ep["ln_b"]))
    zeros = jnp.zeros((n, c), jnp.float32)
    eh = src.shape[0] // 2

    g = _gather_add(px, qx, src, dst)
    e = _edge_mlp(g, edge_attr, *edge_w)
    partials = _segment_sum(e, dst, zeros, n)
    x_out = _node_mlp(x, partials, va_t, vb_t, row(np_["b"][0]), np_["W"][1].T,
                      row(np_["b"][1]), np_["W"][2].T, row(np_["b"][2]),
                      np_["W"][3].T, row(np_["b"][3]),
                      row(np_["ln_w"]), row(np_["ln_b"]))
    return (x_out, e)

# --- scband reference (transcript-rebuilt; emitter-appended) ---
"""Pipeline reference for scband-topk-multiscale-gnn-49246095016473 (READ-ONLY COPY).

The authoritative reference and input builder live on the scoring server;
editing this copy changes nothing except your own understanding.
"""

import jax, jax.numpy as jnp
import numpy as np

N = 10000
E = 320000
C = 128

def _make_mlp(key, ic_list, oc_list, c):
    Ws, bs = [], []
    for ic, oc in zip(ic_list, oc_list):
        key, k1 = jax.random.split(key)
        Ws.append(jax.random.normal(k1, (oc, ic), jnp.float32) * (1.0 / np.sqrt(ic)))
        bs.append(jnp.zeros((oc,), jnp.float32))
    return {"W": Ws, "b": bs, "ln_w": jnp.ones((c,), jnp.float32), "ln_b": jnp.zeros((c,), jnp.float32)}

def _mlp(p, x):
    n = len(p["W"])
    for i in range(n):
        x = x @ p["W"][i].T + p["b"][i]
        if i < n - 1:
            x = jax.nn.relu(x)
    mu = jnp.mean(x, axis=-1, keepdims=True)
    var = jnp.var(x, axis=-1, keepdims=True)
    x = (x - mu) * jax.lax.rsqrt(var + 1e-5)
    return x * p["ln_w"] + p["ln_b"]

def setup_inputs(seed: int = 0):
    key = jax.random.key(seed)
    k0, k1, k2, k3, k4 = jax.random.split(key, 5)
    x = jax.random.normal(k0, (N, C), jnp.float32)
    edge_attr = jax.random.normal(k1, (E, C), jnp.float32)
    edge_index = jax.random.randint(k2, (2, E), 0, N, jnp.int32)
    hid = [C] * 3  # n_mlp_hidden_layers=2 -> hidden_channels=[C]*(2+1)
    ic_e = [3 * C] + hid
    oc_e = hid + [C]
    ic_n = [2 * C] + hid
    oc_n = hid + [C]
    params = {"edge": _make_mlp(k3, ic_e, oc_e, C), "node": _make_mlp(k4, ic_n, oc_n, C)}
    return {"x": x, "edge_attr": edge_attr, "edge_index": edge_index, "params": params}

def reference(x, edge_attr, edge_index, params):
    # MessagePassingLayer.forward (level-0 down processor, 1 MP layer):
    # e += edge_updater(cat(x[src], x[dst], e)); edge_agg = scatter_add(e -> dst);
    # x += node_updater(cat(x, edge_agg))
    src = edge_index[0]
    dst = edge_index[1]
    e = edge_attr + _mlp(params["edge"], jnp.concatenate([x[src], x[dst], edge_attr], axis=1))
    agg = jax.ops.segment_sum(e, dst, num_segments=x.shape[0])
    x_out = x + _mlp(params["node"], jnp.concatenate([x, agg], axis=1))
    return (x_out, e)

if __name__ == "__main__":
    import jax
    _d = setup_inputs()
    print(jax.jit(kernel)(*tuple(_d.values())))

</pallas_src>

<mosaic_0001>
#map = affine_map<(d0, d1) -> (0, 0)>
#map1 = affine_map<(d0, d1) -> (0)>
module attributes {stable_mosaic.version = 14 : i64} {
  func.func @run(%arg0: i32, %arg1: i32, %arg2: memref<10000x128xf32, #tpu.memory_space<hbm>>, %arg3: memref<10000x128xf32, #tpu.memory_space<hbm>>, %arg4: memref<320000xi32, #tpu.memory_space<hbm>>, %arg5: memref<320000xi32, #tpu.memory_space<hbm>>, %arg6: memref<320000x128xf32, #tpu.memory_space<hbm>>, %arg7: memref<200xi32, #tpu.memory_space<vmem>>, %arg8: memref<200xi32, #tpu.memory_space<vmem>>, %arg9: memref<200xi32, #tpu.memory_space<vmem>>, %arg10: memref<200xi32, #tpu.memory_space<vmem>>, %arg11: memref<200x128xf32, #tpu.memory_space<vmem>>, %arg12: memref<200x128xf32, #tpu.memory_space<vmem>>, %arg13: memref<200x128xf32, #tpu.memory_space<vmem>>, %arg14: memref<200x128xf32, #tpu.memory_space<vmem>>, %arg15: memref<!tpu.dma_semaphore, #tpu.memory_space<semaphore_mem>>, %arg16: memref<!tpu.dma_semaphore, #tpu.memory_space<semaphore_mem>>, %arg17: memref<!tpu.dma_semaphore, #tpu.memory_space<semaphore_mem>>, %arg18: memref<!tpu.dma_semaphore, #tpu.memory_space<semaphore_mem>>, %arg19: memref<!tpu.dma_semaphore, #tpu.memory_space<semaphore_mem>>) attributes {dimension_semantics = [#tpu.dimension_semantics<core_parallel>, #tpu.dimension_semantics<subcore_parallel>], iteration_bounds = array<i64: 2, 16>, scalar_prefetch = 0 : i64, scratch_operands = 13 : i64, tpu.core_type = #tpu.core_type<sc_vector_subcore>, window_params = [{transform_indices = #map}, {transform_indices = #map}, {transform_indices = #map1}, {transform_indices = #map1}, {transform_indices = #map}]} {
    %mul3A = arith.constant 2 : i32
    %mul3A_0 = arith.muli %arg1, %mul3A : i32
    %add3A = arith.addi %mul3A_0, %arg0 : i32
    %mul3A_1 = arith.constant 10000 : i32
    %mul3A_2 = arith.muli %add3A, %mul3A_1 : i32
    %add3A_3 = arith.constant 0 : i32
    %add3A_4 = arith.addi %mul3A_2, %add3A_3 : i32
    %dma_start3A = tpu.memref_slice %arg4[%add3A_4] : memref<320000xi32, #tpu.memory_space<hbm>> -> memref<200xi32, #tpu.memory_space<hbm>>
    %dma_start3A_5 = tpu.memref_slice %arg4[%add3A_4] : memref<320000xi32, #tpu.memory_space<hbm>> -> memref<200xi32, #tpu.memory_space<hbm>>
    tpu.enqueue_dma source(%dma_start3A_5 : memref<200xi32, #tpu.memory_space<hbm>>) target(%arg7 : memref<200xi32, #tpu.memory_space<vmem>>) target_semaphore(%arg17 : memref<!tpu.dma_semaphore, #tpu.memory_space<semaphore_mem>>)
    %dma_wait3A = tpu.memref_slice %arg4[%add3A_4] : memref<320000xi32, #tpu.memory_space<hbm>> -> memref<200xi32, #tpu.memory_space<hbm>>
    %dma_wait3A_6 = tpu.memref_slice %arg4[%add3A_4] : memref<320000xi32, #tpu.memory_space<hbm>> -> memref<200xi32, #tpu.memory_space<hbm>>
    tpu.wait_dma2 semaphore(%arg17 : memref<!tpu.dma_semaphore, #tpu.memory_space<semaphore_mem>>) src(%dma_wait3A_6 : memref<200xi32, #tpu.memory_space<hbm>>) dst(%arg7 : memref<200xi32, #tpu.memory_space<vmem>>)
    %dma_start3A_7 = tpu.memref_slice %arg5[%add3A_4] : memref<320000xi32, #tpu.memory_space<hbm>> -> memref<200xi32, #tpu.memory_space<hbm>>
    %dma_start3A_8 = tpu.memref_slice %arg5[%add3A_4] : memref<320000xi32, #tpu.memory_space<hbm>> -> memref<200xi32, #tpu.memory_space<hbm>>
    tpu.enqueue_dma source(%dma_start3A_8 : memref<200xi32, #tpu.memory_space<hbm>>) target(%arg9 : memref<200xi32, #tpu.memory_space<vmem>>) target_semaphore(%arg17 : memref<!tpu.dma_semaphore, #tpu.memory_space<semaphore_mem>>)
    %dma_wait3A_9 = tpu.memref_slice %arg5[%add3A_4] : memref<320000xi32, #tpu.memory_space<hbm>> -> memref<200xi32, #tpu.memory_space<hbm>>
    %dma_wait3A_10 = tpu.memref_slice %arg5[%add3A_4] : memref<320000xi32, #tpu.memory_space<hbm>> -> memref<200xi32, #tpu.memory_space<hbm>>
    tpu.wait_dma2 semaphore(%arg17 : memref<!tpu.dma_semaphore, #tpu.memory_space<semaphore_mem>>) src(%dma_wait3A_10 : memref<200xi32, #tpu.memory_space<hbm>>) dst(%arg9 : memref<200xi32, #tpu.memory_space<vmem>>)
    %dma_start3A_11 = arith.constant 0 : i32
    %dma_start3A_12 = arith.constant 0 : i32
    %dma_start3A_13 = tpu.memref_slice %arg2[%dma_start3A_11, %dma_start3A_12] : memref<10000x128xf32, #tpu.memory_space<hbm>> -> memref<10000x128xf32, #tpu.memory_space<hbm>>
    tpu.enqueue_indirect_dma source(%dma_start3A_13 : memref<10000x128xf32, #tpu.memory_space<hbm>>) target(%arg11 : memref<200x128xf32, #tpu.memory_space<vmem>>) offsets(%arg7 : memref<200xi32, #tpu.memory_space<vmem>>) semaphore(%arg15 : memref<!tpu.dma_semaphore, #tpu.memory_space<semaphore_mem>>)
    %dma_start3A_14 = arith.constant 0 : i32
    %dma_start3A_15 = arith.constant 0 : i32
    %dma_start3A_16 = tpu.memref_slice %arg3[%dma_start3A_14, %dma_start3A_15] : memref<10000x128xf32, #tpu.memory_space<hbm>> -> memref<10000x128xf32, #tpu.memory_space<hbm>>
    tpu.enqueue_indirect_dma source(%dma_start3A_16 : memref<10000x128xf32, #tpu.memory_space<hbm>>) target(%arg12 : memref<200x128xf32, #tpu.memory_space<vmem>>) offsets(%arg9 : memref<200xi32, #tpu.memory_space<vmem>>) semaphore(%arg15 : memref<!tpu.dma_semaphore, #tpu.memory_space<semaphore_mem>>)
    %scan3A = arith.constant 0 : i32
    %scan3A_17 = arith.constant 0 : i32
    %scan3A_18 = arith.constant 25 : i32
    %scan3A_19 = arith.addi %scan3A_17, %scan3A_18 : i32
    %scan3A_20 = arith.constant 1 : i32
    scf.for %scan3A_22 = %scan3A_17 to %scan3A_19 step %scan3A_20  : i32 {
      %mul3A_23 = arith.constant 2 : i32
      %mul3A_24 = arith.muli %mul3A_23, %scan3A_22 : i32
      %add3A_25 = arith.constant 1 : i32
      %add3A_26 = arith.addi %mul3A_24, %add3A_25 : i32
      %add3A_27 = arith.constant 2 : i32
      %add3A_28 = arith.addi %mul3A_24, %add3A_27 : i32
      %mul3A_29 = arith.constant 200 : i32
      %mul3A_30 = arith.muli %mul3A_24, %mul3A_29 : i32
      %add3A_31 = arith.addi %mul3A_2, %mul3A_30 : i32
      %mul3A_32 = arith.constant 200 : i32
      %mul3A_33 = arith.muli %add3A_26, %mul3A_32 : i32
      %add3A_34 = arith.addi %mul3A_2, %mul3A_33 : i32
      %gt3A = arith.constant 0 : i32
      %gt3A_35 = arith.cmpi sgt, %scan3A_22, %gt3A : i32
      %convert_element_type3A = arith.extui %gt3A_35 : i1 to i32
      %cond3A = arith.constant 0 : i32
      %cond3A_36 = arith.cmpi ne, %convert_element_type3A, %cond3A : i32
      scf.if %cond3A_36 {
        %sub3A = arith.constant 2 : i32
        %sub3A_98 = arith.subi %add3A_26, %sub3A : i32
        %mul3A_99 = arith.constant 200 : i32
        %mul3A_100 = arith.muli %sub3A_98, %mul3A_99 : i32
        %add3A_101 = arith.addi %mul3A_2, %mul3A_100 : i32
        %dma_wait3A_102 = arith.constant 0 : i32
        %dma_wait3A_103 = tpu.memref_slice %arg6[%add3A_101, %dma_wait3A_102] : memref<320000x128xf32, #tpu.memory_space<hbm>> -> memref<200x128xf32, #tpu.memory_space<hbm>>
        %dma_wait3A_104 = arith.constant 0 : i32
        %dma_wait3A_105 = tpu.memref_slice %arg6[%add3A_101, %dma_wait3A_104] : memref<320000x128xf32, #tpu.memory_space<hbm>> -> memref<200x128xf32, #tpu.memory_space<hbm>>
        tpu.wait_dma2 semaphore(%arg19 : memref<!tpu.dma_semaphore, #tpu.memory_space<semaphore_mem>>) src(%arg13 : memref<200x128xf32, #tpu.memory_space<vmem>>) dst(%dma_wait3A_105 : memref<200x128xf32, #tpu.memory_space<hbm>>)
      } else {
      }
      %mul3A_37 = arith.constant 200 : i32
      %mul3A_38 = arith.muli %add3A_26, %mul3A_37 : i32
      %add3A_39 = arith.addi %mul3A_2, %mul3A_38 : i32
      %dma_start3A_40 = tpu.memref_slice %arg4[%add3A_39] : memref<320000xi32, #tpu.memory_space<hbm>> -> memref<200xi32, #tpu.memory_space<hbm>>
      %dma_start3A_41 = tpu.memref_slice %arg4[%add3A_39] : memref<320000xi32, #tpu.memory_space<hbm>> -> memref<200xi32, #tpu.memory_space<hbm>>
      tpu.enqueue_dma source(%dma_start3A_41 : memref<200xi32, #tpu.memory_space<hbm>>) target(%arg8 : memref<200xi32, #tpu.memory_space<vmem>>) target_semaphore(%arg17 : memref<!tpu.dma_semaphore, #tpu.memory_space<semaphore_mem>>)
      %dma_wait3A_42 = tpu.memref_slice %arg4[%add3A_39] : memref<320000xi32, #tpu.memory_space<hbm>> -> memref<200xi32, #tpu.memory_space<hbm>>
      %dma_wait3A_43 = tpu.memref_slice %arg4[%add3A_39] : memref<320000xi32, #tpu.memory_space<hbm>> -> memref<200xi32, #tpu.memory_space<hbm>>
      tpu.wait_dma2 semaphore(%arg17 : memref<!tpu.dma_semaphore, #tpu.memory_space<semaphore_mem>>) src(%dma_wait3A_43 : memref<200xi32, #tpu.memory_space<hbm>>) dst(%arg8 : memref<200xi32, #tpu.memory_space<vmem>>)
      %dma_start3A_44 = tpu.memref_slice %arg5[%add3A_39] : memref<320000xi32, #tpu.memory_space<hbm>> -> memref<200xi32, #tpu.memory_space<hbm>>
      %dma_start3A_45 = tpu.memref_slice %arg5[%add3A_39] : memref<320000xi32, #tpu.memory_space<hbm>> -> memref<200xi32, #tpu.memory_space<hbm>>
      tpu.enqueue_dma source(%dma_start3A_45 : memref<200xi32, #tpu.memory_space<hbm>>) target(%arg10 : memref<200xi32, #tpu.memory_space<vmem>>) target_semaphore(%arg17 : memref<!tpu.dma_semaphore, #tpu.memory_space<semaphore_mem>>)
      %dma_wait3A_46 = tpu.memref_slice %arg5[%add3A_39] : memref<320000xi32, #tpu.memory_space<hbm>> -> memref<200xi32, #tpu.memory_space<hbm>>
      %dma_wait3A_47 = tpu.memref_slice %arg5[%add3A_39] : memref<320000xi32, #tpu.memory_space<hbm>> -> memref<200xi32, #tpu.memory_space<hbm>>
      tpu.wait_dma2 semaphore(%arg17 : memref<!tpu.dma_semaphore, #tpu.memory_space<semaphore_mem>>) src(%dma_wait3A_47 : memref<200xi32, #tpu.memory_space<hbm>>) dst(%arg10 : memref<200xi32, #tpu.memory_space<vmem>>)
      %dma_start3A_48 = arith.constant 0 : i32
      %dma_start3A_49 = arith.constant 0 : i32
      %dma_start3A_50 = tpu.memref_slice %arg2[%dma_start3A_48, %dma_start3A_49] : memref<10000x128xf32, #tpu.memory_space<hbm>> -> memref<10000x128xf32, #tpu.memory_space<hbm>>
      tpu.enqueue_indirect_dma source(%dma_start3A_50 : memref<10000x128xf32, #tpu.memory_space<hbm>>) target(%arg13 : memref<200x128xf32, #tpu.memory_space<vmem>>) offsets(%arg8 : memref<200xi32, #tpu.memory_space<vmem>>) semaphore(%arg16 : memref<!tpu.dma_semaphore, #tpu.memory_space<semaphore_mem>>)
      %dma_start3A_51 = arith.constant 0 : i32
      %dma_start3A_52 = arith.constant 0 : i32
      %dma_start3A_53 = tpu.memref_slice %arg3[%dma_start3A_51, %dma_start3A_52] : memref<10000x128xf32, #tpu.memory_space<hbm>> -> memref<10000x128xf32, #tpu.memory_space<hbm>>
      tpu.enqueue_indirect_dma source(%dma_start3A_53 : memref<10000x128xf32, #tpu.memory_space<hbm>>) target(%arg14 : memref<200x128xf32, #tpu.memory_space<vmem>>) offsets(%arg10 : memref<200xi32, #tpu.memory_space<vmem>>) semaphore(%arg16 : memref<!tpu.dma_semaphore, #tpu.memory_space<semaphore_mem>>)
      %dma_wait3A_54 = arith.constant 0 : i32
      %dma_wait3A_55 = arith.constant 0 : i32
      %dma_wait3A_56 = tpu.memref_slice %arg2[%dma_wait3A_54, %dma_wait3A_55] : memref<10000x128xf32, #tpu.memory_space<hbm>> -> memref<10000x128xf32, #tpu.memory_space<hbm>>
      tpu.wait_indirect_dma semaphore(%arg15 : memref<!tpu.dma_semaphore, #tpu.memory_space<semaphore_mem>>) src(%dma_wait3A_56 : memref<10000x128xf32, #tpu.memory_space<hbm>>) dst(%arg11 : memref<200x128xf32, #tpu.memory_space<vmem>>)
      %dma_wait3A_57 = arith.constant 0 : i32
      %dma_wait3A_58 = arith.constant 0 : i32
      %dma_wait3A_59 = tpu.memref_slice %arg3[%dma_wait3A_57, %dma_wait3A_58] : memref<10000x128xf32, #tpu.memory_space<hbm>> -> memref<10000x128xf32, #tpu.memory_space<hbm>>
      tpu.wait_indirect_dma semaphore(%arg15 : memref<!tpu.dma_semaphore, #tpu.memory_space<semaphore_mem>>) src(%dma_wait3A_59 : memref<10000x128xf32, #tpu.memory_space<hbm>>) dst(%arg12 : memref<200x128xf32, #tpu.memory_space<vmem>>)
      %scan3A_60 = arith.constant 0 : i32
      %scan3A_61 = arith.constant 0 : i32
      %scan3A_62 = arith.constant 200 : i32
      %scan3A_63 = arith.addi %scan3A_61, %scan3A_62 : i32
      %scan3A_64 = arith.constant 1 : i32
      scf.for %scan3A_98 = %scan3A_61 to %scan3A_63 step %scan3A_64  : i32 {
        %get3A = arith.index_cast %scan3A_98 : i32 to index
        %get3A_99 = arith.constant 0 : index
        %get3A_100 = tpu.vector_load %arg11[%get3A, %get3A_99] {strides = array<i32>} : memref<200x128xf32, #tpu.memory_space<vmem>>, vector<1x16xf32>,
        %get3A_101 = vector.shape_cast %get3A_100 : vector<1x16xf32> to vector<16xf32>
        %get3A_102 = arith.index_cast %scan3A_98 : i32 to index
        %get3A_103 = arith.constant 0 : index
        %get3A_104 = tpu.vector_load %arg12[%get3A_102, %get3A_103] {strides = array<i32>} : memref<200x128xf32, #tpu.memory_space<vmem>>, vector<1x16xf32>,
        %get3A_105 = vector.shape_cast %get3A_104 : vector<1x16xf32> to vector<16xf32>
        %add3A_106 = arith.addf %get3A_101, %get3A_105 : vector<16xf32>
        %swap3A = arith.index_cast %scan3A_98 : i32 to index
        %swap3A_107 = arith.constant 0 : index
        %swap3A_108 = tpu.vector_load %arg11[%swap3A, %swap3A_107] {strides = array<i32>} : memref<200x128xf32, #tpu.memory_space<vmem>>, vector<1x16xf32>,
        %swap3A_109 = vector.shape_cast %swap3A_108 : vector<1x16xf32> to vector<16xf32>
        %swap3A_110 = vector.shape_cast %add3A_106 : vector<16xf32> to vector<1x16xf32>
        tpu.vector_store %arg11[%swap3A, %swap3A_107], %swap3A_110 {strides = array<i32>} : memref<200x128xf32, #tpu.memory_space<vmem>>, vector<1x16xf32>,
        %get3A_111 = arith.index_cast %scan3A_98 : i32 to index
        %get3A_112 = arith.constant 16 : index
        %get3A_113 = tpu.vector_load %arg11[%get3A_111, %get3A_112] {strides = array<i32>} : memref<200x128xf32, #tpu.memory_space<vmem>>, vector<1x16xf32>,
        %get3A_114 = vector.shape_cast %get3A_113 : vector<1x16xf32> to vector<16xf32>
        %get3A_115 = arith.index_cast %scan3A_98 : i32 to index
        %get3A_116 = arith.constant 16 : index
        %get3A_117 = tpu.vector_load %arg12[%get3A_115, %get3A_116] {strides = array<i32>} : memref<200x128xf32, #tpu.memory_space<vmem>>, vector<1x16xf32>,
        %get3A_118 = vector.shape_cast %get3A_117 : vector<1x16xf32> to vector<16xf32>
        %add3A_119 = arith.addf %get3A_114, %get3A_118 : vector<16xf32>
        %swap3A_120 = arith.index_cast %scan3A_98 : i32 to index
        %swap3A_121 = arith.constant 16 : index
        %swap3A_122 = tpu.vector_load %arg11[%swap3A_120, %swap3A_121] {strides = array<i32>} : memref<200x128xf32, #tpu.memory_space<vmem>>, vector<1x16xf32>,
        %swap3A_123 = vector.shape_cast %swap3A_122 : vector<1x16xf32> to vector<16xf32>
        %swap3A_124 = vector.shape_cast %add3A_119 : vector<16xf32> to vector<1x16xf32>
        tpu.vector_store %arg11[%swap3A_120, %swap3A_121], %swap3A_124 {strides = array<i32>} : memref<200x128xf32, #tpu.memory_space<vmem>>, vector<1x16xf32>,
        %get3A_125 = arith.index_cast %scan3A_98 : i32 to index
        %get3A_126 = arith.constant 32 : index
        %get3A_127 = tpu.vector_load %arg11[%get3A_125, %get3A_126] {strides = array<i32>} : memref<200x128xf32, #tpu.memory_space<vmem>>, vector<1x16xf32>,
        %get3A_128 = vector.shape_cast %get3A_127 : vector<1x16xf32> to vector<16xf32>
        %get3A_129 = arith.index_cast %scan3A_98 : i32 to index
        %get3A_130 = arith.constant 32 : index
        %get3A_131 = tpu.vector_load %arg12[%get3A_129, %get3A_130] {strides = array<i32>} : memref<200x128xf32, #tpu.memory_space<vmem>>, vector<1x16xf32>,
        %get3A_132 = vector.shape_cast %get3A_131 : vector<1x16xf32> to vector<16xf32>
        %add3A_133 = arith.addf %get3A_128, %get3A_132 : vector<16xf32>
        %swap3A_134 = arith.index_cast %scan3A_98 : i32 to index
        %swap3A_135 = arith.constant 32 : index
        %swap3A_136 = tpu.vector_load %arg11[%swap3A_134, %swap3A_135] {strides = array<i32>} : memref<200x128xf32, #tpu.memory_space<vmem>>, vector<1x16xf32>,
        %swap3A_137 = vector.shape_cast %swap3A_136 : vector<1x16xf32> to vector<16xf32>
        %swap3A_138 = vector.shape_cast %add3A_133 : vector<16xf32> to vector<1x16xf32>
        tpu.vector_store %arg11[%swap3A_134, %swap3A_135], %swap3A_138 {strides = array<i32>} : memref<200x128xf32, #tpu.memory_space<vmem>>, vector<1x16xf32>,
        %get3A_139 = arith.index_cast %scan3A_98 : i32 to index
        %get3A_140 = arith.constant 48 : index
        %get3A_141 = tpu.vector_load %arg11[%get3A_139, %get3A_140] {strides = array<i32>} : memref<200x128xf32, #tpu.memory_space<vmem>>, vector<1x16xf32>,
        %get3A_142 = vector.shape_cast %get3A_141 : vector<1x16xf32> to vector<16xf32>
        %get3A_143 = arith.index_cast %scan3A_98 : i32 to index
        %get3A_144 = arith.constant 48 : index
        %get3A_145 = tpu.vector_load %arg12[%get3A_143, %get3A_144] {strides = array<i32>} : memref<200x128xf32, #tpu.memory_space<vmem>>, vector<1x16xf32>,
        %get3A_146 = vector.shape_cast %get3A_145 : vector<1x16xf32> to vector<16xf32>
        %add3A_147 = arith.addf %get3A_142, %get3A_146 : vector<16xf32>
        %swap3A_148 = arith.index_cast %scan3A_98 : i32 to index
        %swap3A_149 = arith.constant 48 : index
        %swap3A_150 = tpu.vector_load %arg11[%swap3A_148, %swap3A_149] {strides = array<i32>} : memref<200x128xf32, #tpu.memory_space<vmem>>, vector<1x16xf32>,
        %swap3A_151 = vector.shape_cast %swap3A_150 : vector<1x16xf32> to vector<16xf32>
        %swap3A_152 = vector.shape_cast %add3A_147 : vector<16xf32> to vector<1x16xf32>
        tpu.vector_store %arg11[%swap3A_148, %swap3A_149], %swap3A_152 {strides = array<i32>} : memref<200x128xf32, #tpu.memory_space<vmem>>, vector<1x16xf32>,
        %get3A_153 = arith.index_cast %scan3A_98 : i32 to index
        %get3A_154 = arith.constant 64 : index
        %get3A_155 = tpu.vector_load %arg11[%get3A_153, %get3A_154] {strides = array<i32>} : memref<200x128xf32, #tpu.memory_space<vmem>>, vector<1x16xf32>,
        %get3A_156 = vector.shape_cast %get3A_155 : vector<1x16xf32> to vector<16xf32>
        %get3A_157 = arith.index_cast %scan3A_98 : i32 to index
        %get3A_158 = arith.constant 64 : index
        %get3A_159 = tpu.vector_load %arg12[%get3A_157, %get3A_158] {strides = array<i32>} : memref<200x128xf32, #tpu.memory_space<vmem>>, vector<1x16xf32>,
        %get3A_160 = vector.shape_cast %get3A_159 : vector<1x16xf32> to vector<16xf32>
        %add3A_161 = arith.addf %get3A_156, %get3A_160 : vector<16xf32>
        %swap3A_162 = arith.index_cast %scan3A_98 : i32 to index
        %swap3A_163 = arith.constant 64 : index
        %swap3A_164 = tpu.vector_load %arg11[%swap3A_162, %swap3A_163] {strides = array<i32>} : memref<200x128xf32, #tpu.memory_space<vmem>>, vector<1x16xf32>,
        %swap3A_165 = vector.shape_cast %swap3A_164 : vector<1x16xf32> to vector<16xf32>
        %swap3A_166 = vector.shape_cast %add3A_161 : vector<16xf32> to vector<1x16xf32>
        tpu.vector_store %arg11[%swap3A_162, %swap3A_163], %swap3A_166 {strides = array<i32>} : memref<200x128xf32, #tpu.memory_space<vmem>>, vector<1x16xf32>,
        %get3A_167 = arith.index_cast %scan3A_98 : i32 to index
        %get3A_168 = arith.constant 80 : index
        %get3A_169 = tpu.vector_load %arg11[%get3A_167, %get3A_168] {strides = array<i32>} : memref<200x128xf32, #tpu.memory_space<vmem>>, vector<1x16xf32>,
        %get3A_170 = vector.shape_cast %get3A_169 : vector<1x16xf32> to vector<16xf32>
        %get3A_171 = arith.index_cast %scan3A_98 : i32 to index
        %get3A_172 = arith.constant 80 : index
        %get3A_173 = tpu.vector_load %arg12[%get3A_171, %get3A_172] {strides = array<i32>} : memref<200x128xf32, #tpu.memory_space<vmem>>, vector<1x16xf32>,
        %get3A_174 = vector.shape_cast %get3A_173 : vector<1x16xf32> to vector<16xf32>
        %add3A_175 = arith.addf %get3A_170, %get3A_174 : vector<16xf32>
        %swap3A_176 = arith.index_cast %scan3A_98 : i32 to index
        %swap3A_177 = arith.constant 80 : index
        %swap3A_178 = tpu.vector_load %arg11[%swap3A_176, %swap3A_177] {strides = array<i32>} : memref<200x128xf32, #tpu.memory_space<vmem>>, vector<1x16xf32>,
        %swap3A_179 = vector.shape_cast %swap3A_178 : vector<1x16xf32> to vector<16xf32>
        %swap3A_180 = vector.shape_cast %add3A_175 : vector<16xf32> to vector<1x16xf32>
        tpu.vector_store %arg11[%swap3A_176, %swap3A_177], %swap3A_180 {strides = array<i32>} : memref<200x128xf32, #tpu.memory_space<vmem>>, vector<1x16xf32>,
        %get3A_181 = arith.index_cast %scan3A_98 : i32 to index
        %get3A_182 = arith.constant 96 : index
        %get3A_183 = tpu.vector_load %arg11[%get3A_181, %get3A_182] {strides = array<i32>} : memref<200x128xf32, #tpu.memory_space<vmem>>, vector<1x16xf32>,
        %get3A_184 = vector.shape_cast %get3A_183 : vector<1x16xf32> to vector<16xf32>
        %get3A_185 = arith.index_cast %scan3A_98 : i32 to index
        %get3A_186 = arith.constant 96 : index
        %get3A_187 = tpu.vector_load %arg12[%get3A_185, %get3A_186] {strides = array<i32>} : memref<200x128xf32, #tpu.memory_space<vmem>>, vector<1x16xf32>,
        %get3A_188 = vector.shape_cast %get3A_187 : vector<1x16xf32> to vector<16xf32>
        %add3A_189 = arith.addf %get3A_184, %get3A_188 : vector<16xf32>
        %swap3A_190 = arith.index_cast %scan3A_98 : i32 to index
        %swap3A_191 = arith.constant 96 : index
        %swap3A_192 = tpu.vector_load %arg11[%swap3A_190, %swap3A_191] {strides = array<i32>} : memref<200x128xf32, #tpu.memory_space<vmem>>, vector<1x16xf32>,
        %swap3A_193 = vector.shape_cast %swap3A_192 : vector<1x16xf32> to vector<16xf32>
        %swap3A_194 = vector.shape_cast %add3A_189 : vector<16xf32> to vector<1x16xf32>
        tpu.vector_store %arg11[%swap3A_190, %swap3A_191], %swap3A_194 {strides = array<i32>} : memref<200x128xf32, #tpu.memory_space<vmem>>, vector<1x16xf32>,
        %get3A_195 = arith.index_cast %scan3A_98 : i32 to index
        %get3A_196 = arith.constant 112 : index
        %get3A_197 = tpu.vector_load %arg11[%get3A_195, %get3A_196] {strides = array<i32>} : memref<200x128xf32, #tpu.memory_space<vmem>>, vector<1x16xf32>,
        %get3A_198 = vector.shape_cast %get3A_197 : vector<1x16xf32> to vector<16xf32>
        %get3A_199 = arith.index_cast %scan3A_98 : i32 to index
        %get3A_200 = arith.constant 112 : index
        %get3A_201 = tpu.vector_load %arg12[%get3A_199, %get3A_200] {strides = array<i32>} : memref<200x128xf32, #tpu.memory_space<vmem>>, vector<1x16xf32>,
        %get3A_202 = vector.shape_cast %get3A_201 : vector<1x16xf32> to vector<16xf32>
        %add3A_203 = arith.addf %get3A_198, %get3A_202 : vector<16xf32>
        %swap3A_204 = arith.index_cast %scan3A_98 : i32 to index
        %swap3A_205 = arith.constant 112 : index
        %swap3A_206 = tpu.vector_load %arg11[%swap3A_204, %swap3A_205] {strides = array<i32>} : memref<200x128xf32, #tpu.memory_space<vmem>>, vector<1x16xf32>,
        %swap3A_207 = vector.shape_cast %swap3A_206 : vector<1x16xf32> to vector<16xf32>
        %swap3A_208 = vector.shape_cast %add3A_203 : vector<16xf32> to vector<1x16xf32>
        tpu.vector_store %arg11[%swap3A_204, %swap3A_205], %swap3A_208 {strides = array<i32>} : memref<200x128xf32, #tpu.memory_space<vmem>>, vector<1x16xf32>,
      }
      %scan3A_65 = arith.constant 200 : i32
      %dma_start3A_66 = arith.constant 0 : i32
      %dma_start3A_67 = tpu.memref_slice %arg6[%add3A_31, %dma_start3A_66] : memref<320000x128xf32, #tpu.memory_space<hbm>> -> memref<200x128xf32, #tpu.memory_space<hbm>>
      %dma_start3A_68 = arith.constant 0 : i32
      %dma_start3A_69 = tpu.memref_slice %arg6[%add3A_31, %dma_start3A_68] : memref<320000x128xf32, #tpu.memory_space<hbm>> -> memref<200x128xf32, #tpu.memory_space<hbm>>
      tpu.enqueue_dma source(%arg11 : memref<200x128xf32, #tpu.memory_space<vmem>>) target(%dma_start3A_69 : memref<200x128xf32, #tpu.memory_space<hbm>>) target_semaphore(%arg18 : memref<!tpu.dma_semaphore, #tpu.memory_space<semaphore_mem>>)
      %add3A_70 = arith.constant 1 : i32
      %add3A_71 = arith.addi %scan3A_22, %add3A_70 : i32
      %lt3A = arith.constant 25 : i32
      %lt3A_72 = arith.cmpi slt, %add3A_71, %lt3A : i32
      %convert_element_type3A_73 = arith.extui %lt3A_72 : i1 to i32
      %cond3A_74 = arith.constant 0 : i32
      %cond3A_75 = arith.cmpi ne, %convert_element_type3A_73, %cond3A_74 : i32
      scf.if %cond3A_75 {
        %mul3A_98 = arith.constant 200 : i32
        %mul3A_99 = arith.muli %add3A_28, %mul3A_98 : i32
        %add3A_100 = arith.addi %mul3A_2, %mul3A_99 : i32
        %dma_start3A_101 = tpu.memref_slice %arg4[%add3A_100] : memref<320000xi32, #tpu.memory_space<hbm>> -> memref<200xi32, #tpu.memory_space<hbm>>
        %dma_start3A_102 = tpu.memref_slice %arg4[%add3A_100] : memref<320000xi32, #tpu.memory_space<hbm>> -> memref<200xi32, #tpu.memory_space<hbm>>
        tpu.enqueue_dma source(%dma_start3A_102 : memref<200xi32, #tpu.memory_space<hbm>>) target(%arg7 : memref<200xi32, #tpu.memory_space<vmem>>) target_semaphore(%arg17 : memref<!tpu.dma_semaphore, #tpu.memory_space<semaphore_mem>>)
        %dma_wait3A_103 = tpu.memref_slice %arg4[%add3A_100] : memref<320000xi32, #tpu.memory_space<hbm>> -> memref<200xi32, #tpu.memory_space<hbm>>
        %dma_wait3A_104 = tpu.memref_slice %arg4[%add3A_100] : memref<320000xi32, #tpu.memory_space<hbm>> -> memref<200xi32, #tpu.memory_space<hbm>>
        tpu.wait_dma2 semaphore(%arg17 : memref<!tpu.dma_semaphore, #tpu.memory_space<semaphore_mem>>) src(%dma_wait3A_104 : memref<200xi32, #tpu.memory_space<hbm>>) dst(%arg7 : memref<200xi32, #tpu.memory_space<vmem>>)
        %dma_start3A_105 = tpu.memref_slice %arg5[%add3A_100] : memref<320000xi32, #tpu.memory_space<hbm>> -> memref<200xi32, #tpu.memory_space<hbm>>
        %dma_start3A_106 = tpu.memref_slice %arg5[%add3A_100] : memref<320000xi32, #tpu.memory_space<hbm>> -> memref<200xi32, #tpu.memory_space<hbm>>
        tpu.enqueue_dma source(%dma_start3A_106 : memref<200xi32, #tpu.memory_space<hbm>>) target(%arg9 : memref<200xi32, #tpu.memory_space<vmem>>) target_semaphore(%arg17 : memref<!tpu.dma_semaphore, #tpu.memory_space<semaphore_mem>>)
        %dma_wait3A_107 = tpu.memref_slice %arg5[%add3A_100] : memref<320000xi32, #tpu.memory_space<hbm>> -> memref<200xi32, #tpu.memory_space<hbm>>
        %dma_wait3A_108 = tpu.memref_slice %arg5[%add3A_100] : memref<320000xi32, #tpu.memory_space<hbm>> -> memref<200xi32, #tpu.memory_space<hbm>>
        tpu.wait_dma2 semaphore(%arg17 : memref<!tpu.dma_semaphore, #tpu.memory_space<semaphore_mem>>) src(%dma_wait3A_108 : memref<200xi32, #tpu.memory_space<hbm>>) dst(%arg9 : memref<200xi32, #tpu.memory_space<vmem>>)
        %dma_wait3A_109 = arith.constant 0 : i32
        %dma_wait3A_110 = tpu.memref_slice %arg6[%add3A_31, %dma_wait3A_109] : memref<320000x128xf32, #tpu.memory_space<hbm>> -> memref<200x128xf32, #tpu.memory_space<hbm>>
        %dma_wait3A_111 = arith.constant 0 : i32
        %dma_wait3A_112 = tpu.memref_slice %arg6[%add3A_31, %dma_wait3A_111] : memref<320000x128xf32, #tpu.memory_space<hbm>> -> memref<200x128xf32, #tpu.memory_space<hbm>>
        tpu.wait_dma2 semaphore(%arg18 : memref<!tpu.dma_semaphore, #tpu.memory_space<semaphore_mem>>) src(%arg11 : memref<200x128xf32, #tpu.memory_space<vmem>>) dst(%dma_wait3A_112 : memref<200x128xf32, #tpu.memory_space<hbm>>)
        %dma_start3A_113 = arith.constant 0 : i32
        %dma_start3A_114 = arith.constant 0 : i32
        %dma_start3A_115 = tpu.memref_slice %arg2[%dma_start3A_113, %dma_start3A_114] : memref<10000x128xf32, #tpu.memory_space<hbm>> -> memref<10000x128xf32, #tpu.memory_space<hbm>>
        tpu.enqueue_indirect_dma source(%dma_start3A_115 : memref<10000x128xf32, #tpu.memory_space<hbm>>) target(%arg11 : memref<200x128xf32, #tpu.memory_space<vmem>>) offsets(%arg7 : memref<200xi32, #tpu.memory_space<vmem>>) semaphore(%arg15 : memref<!tpu.dma_semaphore, #tpu.memory_space<semaphore_mem>>)
        %dma_start3A_116 = arith.constant 0 : i32
        %dma_start3A_117 = arith.constant 0 : i32
        %dma_start3A_118 = tpu.memref_slice %arg3[%dma_start3A_116, %dma_start3A_117] : memref<10000x128xf32, #tpu.memory_space<hbm>> -> memref<10000x128xf32, #tpu.memory_space<hbm>>
        tpu.enqueue_indirect_dma source(%dma_start3A_118 : memref<10000x128xf32, #tpu.memory_space<hbm>>) target(%arg12 : memref<200x128xf32, #tpu.memory_space<vmem>>) offsets(%arg9 : memref<200xi32, #tpu.memory_space<vmem>>) semaphore(%arg15 : memref<!tpu.dma_semaphore, #tpu.memory_space<semaphore_mem>>)
      } else {
      }
      %dma_wait3A_76 = arith.constant 0 : i32
      %dma_wait3A_77 = arith.constant 0 : i32
      %dma_wait3A_78 = tpu.memref_slice %arg2[%dma_wait3A_76, %dma_wait3A_77] : memref<10000x128xf32, #tpu.memory_space<hbm>> -> memref<10000x128xf32, #tpu.memory_space<hbm>>
      tpu.wait_indirect_dma semaphore(%arg16 : memref<!tpu.dma_semaphore, #tpu.memory_space<semaphore_mem>>) src(%dma_wait3A_78 : memref<10000x128xf32, #tpu.memory_space<hbm>>) dst(%arg13 : memref<200x128xf32, #tpu.memory_space<vmem>>)
      %dma_wait3A_79 = arith.constant 0 : i32
      %dma_wait3A_80 = arith.constant 0 : i32
      %dma_wait3A_81 = tpu.memref_slice %arg3[%dma_wait3A_79, %dma_wait3A_80] : memref<10000x128xf32, #tpu.memory_space<hbm>> -> memref<10000x128xf32, #tpu.memory_space<hbm>>
      tpu.wait_indirect_dma semaphore(%arg16 : memref<!tpu.dma_semaphore, #tpu.memory_space<semaphore_mem>>) src(%dma_wait3A_81 : memref<10000x128xf32, #tpu.memory_space<hbm>>) dst(%arg14 : memref<200x128xf32, #tpu.memory_space<vmem>>)
      %scan3A_82 = arith.constant 0 : i32
      %scan3A_83 = arith.constant 0 : i32
      %scan3A_84 = arith.constant 200 : i32
      %scan3A_85 = arith.addi %scan3A_83, %scan3A_84 : i32
      %scan3A_86 = arith.constant 1 : i32
      scf.for %scan3A_98 = %scan3A_83 to %scan3A_85 step %scan3A_86  : i32 {
        %get3A = arith.index_cast %scan3A_98 : i32 to index
        %get3A_99 = arith.constant 0 : index
        %get3A_100 = tpu.vector_load %arg13[%get3A, %get3A_99] {strides = array<i32>} : memref<200x128xf32, #tpu.memory_space<vmem>>, vector<1x16xf32>,
        %get3A_101 = vector.shape_cast %get3A_100 : vector<1x16xf32> to vector<16xf32>
        %get3A_102 = arith.index_cast %scan3A_98 : i32 to index
        %get3A_103 = arith.constant 0 : index
        %get3A_104 = tpu.vector_load %arg14[%get3A_102, %get3A_103] {strides = array<i32>} : memref<200x128xf32, #tpu.memory_space<vmem>>, vector<1x16xf32>,
        %get3A_105 = vector.shape_cast %get3A_104 : vector<1x16xf32> to vector<16xf32>
        %add3A_106 = arith.addf %get3A_101, %get3A_105 : vector<16xf32>
        %swap3A = arith.index_cast %scan3A_98 : i32 to index
        %swap3A_107 = arith.constant 0 : index
        %swap3A_108 = tpu.vector_load %arg13[%swap3A, %swap3A_107] {strides = array<i32>} : memref<200x128xf32, #tpu.memory_space<vmem>>, vector<1x16xf32>,
        %swap3A_109 = vector.shape_cast %swap3A_108 : vector<1x16xf32> to vector<16xf32>
        %swap3A_110 = vector.shape_cast %add3A_106 : vector<16xf32> to vector<1x16xf32>
        tpu.vector_store %arg13[%swap3A, %swap3A_107], %swap3A_110 {strides = array<i32>} : memref<200x128xf32, #tpu.memory_space<vmem>>, vector<1x16xf32>,
        %get3A_111 = arith.index_cast %scan3A_98 : i32 to index
        %get3A_112 = arith.constant 16 : index
        %get3A_113 = tpu.vector_load %arg13[%get3A_111, %get3A_112] {strides = array<i32>} : memref<200x128xf32, #tpu.memory_space<vmem>>, vector<1x16xf32>,
        %get3A_114 = vector.shape_cast %get3A_113 : vector<1x16xf32> to vector<16xf32>
        %get3A_115 = arith.index_cast %scan3A_98 : i32 to index
        %get3A_116 = arith.constant 16 : index
        %get3A_117 = tpu.vector_load %arg14[%get3A_115, %get3A_116] {strides = array<i32>} : memref<200x128xf32, #tpu.memory_space<vmem>>, vector<1x16xf32>,
        %get3A_118 = vector.shape_cast %get3A_117 : vector<1x16xf32> to vector<16xf32>
        %add3A_119 = arith.addf %get3A_114, %get3A_118 : vector<16xf32>
        %swap3A_120 = arith.index_cast %scan3A_98 : i32 to index
        %swap3A_121 = arith.constant 16 : index
        %swap3A_122 = tpu.vector_load %arg13[%swap3A_120, %swap3A_121] {strides = array<i32>} : memref<200x128xf32, #tpu.memory_space<vmem>>, vector<1x16xf32>,
        %swap3A_123 = vector.shape_cast %swap3A_122 : vector<1x16xf32> to vector<16xf32>
        %swap3A_124 = vector.shape_cast %add3A_119 : vector<16xf32> to vector<1x16xf32>
        tpu.vector_store %arg13[%swap3A_120, %swap3A_121], %swap3A_124 {strides = array<i32>} : memref<200x128xf32, #tpu.memory_space<vmem>>, vector<1x16xf32>,
        %get3A_125 = arith.index_cast %scan3A_98 : i32 to index
        %get3A_126 = arith.constant 32 : index
        %get3A_127 = tpu.vector_load %arg13[%get3A_125, %get3A_126] {strides = array<i32>} : memref<200x128xf32, #tpu.memory_space<vmem>>, vector<1x16xf32>,
        %get3A_128 = vector.shape_cast %get3A_127 : vector<1x16xf32> to vector<16xf32>
        %get3A_129 = arith.index_cast %scan3A_98 : i32 to index
        %get3A_130 = arith.constant 32 : index
        %get3A_131 = tpu.vector_load %arg14[%get3A_129, %get3A_130] {strides = array<i32>} : memref<200x128xf32, #tpu.memory_space<vmem>>, vector<1x16xf32>,
        %get3A_132 = vector.shape_cast %get3A_131 : vector<1x16xf32> to vector<16xf32>
        %add3A_133 = arith.addf %get3A_128, %get3A_132 : vector<16xf32>
        %swap3A_134 = arith.index_cast %scan3A_98 : i32 to index
        %swap3A_135 = arith.constant 32 : index
        %swap3A_136 = tpu.vector_load %arg13[%swap3A_134, %swap3A_135] {strides = array<i32>} : memref<200x128xf32, #tpu.memory_space<vmem>>, vector<1x16xf32>,
        %swap3A_137 = vector.shape_cast %swap3A_136 : vector<1x16xf32> to vector<16xf32>
        %swap3A_138 = vector.shape_cast %add3A_133 : vector<16xf32> to vector<1x16xf32>
        tpu.vector_store %arg13[%swap3A_134, %swap3A_135], %swap3A_138 {strides = array<i32>} : memref<200x128xf32, #tpu.memory_space<vmem>>, vector<1x16xf32>,
        %get3A_139 = arith.index_cast %scan3A_98 : i32 to index
        %get3A_140 = arith.constant 48 : index
        %get3A_141 = tpu.vector_load %arg13[%get3A_139, %get3A_140] {strides = array<i32>} : memref<200x128xf32, #tpu.memory_space<vmem>>, vector<1x16xf32>,
        %get3A_142 = vector.shape_cast %get3A_141 : vector<1x16xf32> to vector<16xf32>
        %get3A_143 = arith.index_cast %scan3A_98 : i32 to index
        %get3A_144 = arith.constant 48 : index
        %get3A_145 = tpu.vector_load %arg14[%get3A_143, %get3A_144] {strides = array<i32>} : memref<200x128xf32, #tpu.memory_space<vmem>>, vector<1x16xf32>,
        %get3A_146 = vector.shape_cast %get3A_145 : vector<1x16xf32> to vector<16xf32>
        %add3A_147 = arith.addf %get3A_142, %get3A_146 : vector<16xf32>
        %swap3A_148 = arith.index_cast %scan3A_98 : i32 to index
        %swap3A_149 = arith.constant 48 : index
        %swap3A_150 = tpu.vector_load %arg13[%swap3A_148, %swap3A_149] {strides = array<i32>} : memref<200x128xf32, #tpu.memory_space<vmem>>, vector<1x16xf32>,
        %swap3A_151 = vector.shape_cast %swap3A_150 : vector<1x16xf32> to vector<16xf32>
        %swap3A_152 = vector.shape_cast %add3A_147 : vector<16xf32> to vector<1x16xf32>
        tpu.vector_store %arg13[%swap3A_148, %swap3A_149], %swap3A_152 {strides = array<i32>} : memref<200x128xf32, #tpu.memory_space<vmem>>, vector<1x16xf32>,
        %get3A_153 = arith.index_cast %scan3A_98 : i32 to index
        %get3A_154 = arith.constant 64 : index
        %get3A_155 = tpu.vector_load %arg13[%get3A_153, %get3A_154] {strides = array<i32>} : memref<200x128xf32, #tpu.memory_space<vmem>>, vector<1x16xf32>,
        %get3A_156 = vector.shape_cast %get3A_155 : vector<1x16xf32> to vector<16xf32>
        %get3A_157 = arith.index_cast %scan3A_98 : i32 to index
        %get3A_158 = arith.constant 64 : index
        %get3A_159 = tpu.vector_load %arg14[%get3A_157, %get3A_158] {strides = array<i32>} : memref<200x128xf32, #tpu.memory_space<vmem>>, vector<1x16xf32>,
        %get3A_160 = vector.shape_cast %get3A_159 : vector<1x16xf32> to vector<16xf32>
        %add3A_161 = arith.addf %get3A_156, %get3A_160 : vector<16xf32>
        %swap3A_162 = arith.index_cast %scan3A_98 : i32 to index
        %swap3A_163 = arith.constant 64 : index
        %swap3A_164 = tpu.vector_load %arg13[%swap3A_162, %swap3A_163] {strides = array<i32>} : memref<200x128xf32, #tpu.memory_space<vmem>>, vector<1x16xf32>,
        %swap3A_165 = vector.shape_cast %swap3A_164 : vector<1x16xf32> to vector<16xf32>
        %swap3A_166 = vector.shape_cast %add3A_161 : vector<16xf32> to vector<1x16xf32>
        tpu.vector_store %arg13[%swap3A_162, %swap3A_163], %swap3A_166 {strides = array<i32>} : memref<200x128xf32, #tpu.memory_space<vmem>>, vector<1x16xf32>,
        %get3A_167 = arith.index_cast %scan3A_98 : i32 to index
        %get3A_168 = arith.constant 80 : index
        %get3A_169 = tpu.vector_load %arg13[%get3A_167, %get3A_168] {strides = array<i32>} : memref<200x128xf32, #tpu.memory_space<vmem>>, vector<1x16xf32>,
        %get3A_170 = vector.shape_cast %get3A_169 : vector<1x16xf32> to vector<16xf32>
        %get3A_171 = arith.index_cast %scan3A_98 : i32 to index
        %get3A_172 = arith.constant 80 : index
        %get3A_173 = tpu.vector_load %arg14[%get3A_171, %get3A_172] {strides = array<i32>} : memref<200x128xf32, #tpu.memory_space<vmem>>, vector<1x16xf32>,
        %get3A_174 = vector.shape_cast %get3A_173 : vector<1x16xf32> to vector<16xf32>
        %add3A_175 = arith.addf %get3A_170, %get3A_174 : vector<16xf32>
        %swap3A_176 = arith.index_cast %scan3A_98 : i32 to index
        %swap3A_177 = arith.constant 80 : index
        %swap3A_178 = tpu.vector_load %arg13[%swap3A_176, %swap3A_177] {strides = array<i32>} : memref<200x128xf32, #tpu.memory_space<vmem>>, vector<1x16xf32>,
        %swap3A_179 = vector.shape_cast %swap3A_178 : vector<1x16xf32> to vector<16xf32>
        %swap3A_180 = vector.shape_cast %add3A_175 : vector<16xf32> to vector<1x16xf32>
        tpu.vector_store %arg13[%swap3A_176, %swap3A_177], %swap3A_180 {strides = array<i32>} : memref<200x128xf32, #tpu.memory_space<vmem>>, vector<1x16xf32>,
        %get3A_181 = arith.index_cast %scan3A_98 : i32 to index
        %get3A_182 = arith.constant 96 : index
        %get3A_183 = tpu.vector_load %arg13[%get3A_181, %get3A_182] {strides = array<i32>} : memref<200x128xf32, #tpu.memory_space<vmem>>, vector<1x16xf32>,
        %get3A_184 = vector.shape_cast %get3A_183 : vector<1x16xf32> to vector<16xf32>
        %get3A_185 = arith.index_cast %scan3A_98 : i32 to index
        %get3A_186 = arith.constant 96 : index
        %get3A_187 = tpu.vector_load %arg14[%get3A_185, %get3A_186] {strides = array<i32>} : memref<200x128xf32, #tpu.memory_space<vmem>>, vector<1x16xf32>,
        %get3A_188 = vector.shape_cast %get3A_187 : vector<1x16xf32> to vector<16xf32>
        %add3A_189 = arith.addf %get3A_184, %get3A_188 : vector<16xf32>
        %swap3A_190 = arith.index_cast %scan3A_98 : i32 to index
        %swap3A_191 = arith.constant 96 : index
        %swap3A_192 = tpu.vector_load %arg13[%swap3A_190, %swap3A_191] {strides = array<i32>} : memref<200x128xf32, #tpu.memory_space<vmem>>, vector<1x16xf32>,
        %swap3A_193 = vector.shape_cast %swap3A_192 : vector<1x16xf32> to vector<16xf32>
        %swap3A_194 = vector.shape_cast %add3A_189 : vector<16xf32> to vector<1x16xf32>
        tpu.vector_store %arg13[%swap3A_190, %swap3A_191], %swap3A_194 {strides = array<i32>} : memref<200x128xf32, #tpu.memory_space<vmem>>, vector<1x16xf32>,
        %get3A_195 = arith.index_cast %scan3A_98 : i32 to index
        %get3A_196 = arith.constant 112 : index
        %get3A_197 = tpu.vector_load %arg13[%get3A_195, %get3A_196] {strides = array<i32>} : memref<200x128xf32, #tpu.memory_space<vmem>>, vector<1x16xf32>,
        %get3A_198 = vector.shape_cast %get3A_197 : vector<1x16xf32> to vector<16xf32>
        %get3A_199 = arith.index_cast %scan3A_98 : i32 to index
        %get3A_200 = arith.constant 112 : index
        %get3A_201 = tpu.vector_load %arg14[%get3A_199, %get3A_200] {strides = array<i32>} : memref<200x128xf32, #tpu.memory_space<vmem>>, vector<1x16xf32>,
        %get3A_202 = vector.shape_cast %get3A_201 : vector<1x16xf32> to vector<16xf32>
        %add3A_203 = arith.addf %get3A_198, %get3A_202 : vector<16xf32>
        %swap3A_204 = arith.index_cast %scan3A_98 : i32 to index
        %swap3A_205 = arith.constant 112 : index
        %swap3A_206 = tpu.vector_load %arg13[%swap3A_204, %swap3A_205] {strides = array<i32>} : memref<200x128xf32, #tpu.memory_space<vmem>>, vector<1x16xf32>,
        %swap3A_207 = vector.shape_cast %swap3A_206 : vector<1x16xf32> to vector<16xf32>
        %swap3A_208 = vector.shape_cast %add3A_203 : vector<16xf32> to vector<1x16xf32>
        tpu.vector_store %arg13[%swap3A_204, %swap3A_205], %swap3A_208 {strides = array<i32>} : memref<200x128xf32, #tpu.memory_space<vmem>>, vector<1x16xf32>,
      }
      %scan3A_87 = arith.constant 200 : i32
      %dma_start3A_88 = arith.constant 0 : i32
      %dma_start3A_89 = tpu.memref_slice %arg6[%add3A_34, %dma_start3A_88] : memref<320000x128xf32, #tpu.memory_space<hbm>> -> memref<200x128xf32, #tpu.memory_space<hbm>>
      %dma_start3A_90 = arith.constant 0 : i32
      %dma_start3A_91 = tpu.memref_slice %arg6[%add3A_34, %dma_start3A_90] : memref<320000x128xf32, #tpu.memory_space<hbm>> -> memref<200x128xf32, #tpu.memory_space<hbm>>
      tpu.enqueue_dma source(%arg13 : memref<200x128xf32, #tpu.memory_space<vmem>>) target(%dma_start3A_91 : memref<200x128xf32, #tpu.memory_space<hbm>>) target_semaphore(%arg19 : memref<!tpu.dma_semaphore, #tpu.memory_space<semaphore_mem>>)
      %add3A_92 = arith.constant 1 : i32
      %add3A_93 = arith.addi %scan3A_22, %add3A_92 : i32
      %eq3A = arith.constant 25 : i32
      %eq3A_94 = arith.cmpi eq, %add3A_93, %eq3A : i32
      %convert_element_type3A_95 = arith.extui %eq3A_94 : i1 to i32
      %cond3A_96 = arith.constant 0 : i32
      %cond3A_97 = arith.cmpi ne, %convert_element_type3A_95, %cond3A_96 : i32
      scf.if %cond3A_97 {
        %dma_wait3A_98 = arith.constant 0 : i32
        %dma_wait3A_99 = tpu.memref_slice %arg6[%add3A_31, %dma_wait3A_98] : memref<320000x128xf32, #tpu.memory_space<hbm>> -> memref<200x128xf32, #tpu.memory_space<hbm>>
        %dma_wait3A_100 = arith.constant 0 : i32
        %dma_wait3A_101 = tpu.memref_slice %arg6[%add3A_31, %dma_wait3A_100] : memref<320000x128xf32, #tpu.memory_space<hbm>> -> memref<200x128xf32, #tpu.memory_space<hbm>>
        tpu.wait_dma2 semaphore(%arg18 : memref<!tpu.dma_semaphore, #tpu.memory_space<semaphore_mem>>) src(%arg11 : memref<200x128xf32, #tpu.memory_space<vmem>>) dst(%dma_wait3A_101 : memref<200x128xf32, #tpu.memory_space<hbm>>)
        %dma_wait3A_102 = arith.constant 0 : i32
        %dma_wait3A_103 = tpu.memref_slice %arg6[%add3A_34, %dma_wait3A_102] : memref<320000x128xf32, #tpu.memory_space<hbm>> -> memref<200x128xf32, #tpu.memory_space<hbm>>
        %dma_wait3A_104 = arith.constant 0 : i32
        %dma_wait3A_105 = tpu.memref_slice %arg6[%add3A_34, %dma_wait3A_104] : memref<320000x128xf32, #tpu.memory_space<hbm>> -> memref<200x128xf32, #tpu.memory_space<hbm>>
        tpu.wait_dma2 semaphore(%arg19 : memref<!tpu.dma_semaphore, #tpu.memory_space<semaphore_mem>>) src(%arg13 : memref<200x128xf32, #tpu.memory_space<vmem>>) dst(%dma_wait3A_105 : memref<200x128xf32, #tpu.memory_space<hbm>>)
      } else {
      }
    }
    %scan3A_21 = arith.constant 25 : i32
    return
  }
}

#map = affine_map<(d0, d1) -> (0, 0)>
#map1 = affine_map<(d0, d1) -> (0)>
module attributes {stable_mosaic.version = 14 : i64} {
  func.func @run(%arg0: i32, %arg1: i32, %arg2: memref<320000x128xf32, #tpu.memory_space<hbm>>, %arg3: memref<320000xi32, #tpu.memory_space<hbm>>, %arg4: memref<10000x128xf32, #tpu.memory_space<hbm>>, %arg5: memref<20000x128xf32, #tpu.memory_space<hbm>>, %arg6: memref<2x128xi32, #tpu.memory_space<vmem>>, %arg7: memref<128x128xf32, #tpu.memory_space<vmem>>, %arg8: memref<128x128xf32, #tpu.memory_space<vmem>>, %arg9: memref<16xi32, #tpu.memory_space<vmem>>, %arg10: memref<16x128xf32, #tpu.memory_space<vmem>>, %arg11: memref<10000x128xf32, #tpu.memory_space<vmem_shared>>, %arg12: memref<!tpu.dma_semaphore, #tpu.memory_space<semaphore_mem>>, %arg13: memref<!tpu.dma_semaphore, #tpu.memory_space<semaphore_mem>>, %arg14: memref<!tpu.dma_semaphore, #tpu.memory_space<semaphore_mem>>, %arg15: memref<!tpu.dma_semaphore, #tpu.memory_space<semaphore_mem>>) attributes {dimension_semantics = [#tpu.dimension_semantics<core_parallel>, #tpu.dimension_semantics<subcore_parallel>], iteration_bounds = array<i64: 2, 16>, scalar_prefetch = 0 : i64, scratch_operands = 10 : i64, tpu.core_type = #tpu.core_type<sc_vector_subcore>, window_params = [{transform_indices = #map}, {transform_indices = #map1}, {transform_indices = #map}, {transform_indices = #map}]} {
    %mul3A = arith.constant 624 : i32
    %mul3A_0 = arith.muli %arg1, %mul3A : i32
    %mul3A_1 = arith.constant 624 : i32
    %mul3A_2 = arith.muli %arg1, %mul3A_1 : i32
    "tpu.region"() ({
      %run_scoped3A_35 = tpu.sem_alloc : memref<!tpu.dma_semaphore, #tpu.memory_space<semaphore_mem>>
      %dma_start3A_36 = arith.constant 0 : i32
      %dma_start3A_37 = tpu.memref_slice %arg11[%mul3A_2, %dma_start3A_36] : memref<10000x128xf32, #tpu.memory_space<vmem_shared>> -> memref<624x128xf32, #tpu.memory_space<vmem_shared>>
      %dma_start3A_38 = arith.constant 0 : i32
      %dma_start3A_39 = tpu.memref_slice %arg4[%mul3A_0, %dma_start3A_38] : memref<10000x128xf32, #tpu.memory_space<hbm>> -> memref<624x128xf32, #tpu.memory_space<hbm>>
      tpu.enqueue_dma source(%dma_start3A_39 : memref<624x128xf32, #tpu.memory_space<hbm>>) target(%dma_start3A_37 : memref<624x128xf32, #tpu.memory_space<vmem_shared>>) target_semaphore(%run_scoped3A_35 : memref<!tpu.dma_semaphore, #tpu.memory_space<semaphore_mem>>)
      %dma_wait3A_40 = arith.constant 0 : i32
      %dma_wait3A_41 = tpu.memref_slice %arg11[%mul3A_2, %dma_wait3A_40] : memref<10000x128xf32, #tpu.memory_space<vmem_shared>> -> memref<624x128xf32, #tpu.memory_space<vmem_shared>>
      %dma_wait3A_42 = arith.constant 0 : i32
      %dma_wait3A_43 = tpu.memref_slice %arg4[%mul3A_0, %dma_wait3A_42] : memref<10000x128xf32, #tpu.memory_space<hbm>> -> memref<624x128xf32, #tpu.memory_space<hbm>>
      tpu.wait_dma2 semaphore(%run_scoped3A_35 : memref<!tpu.dma_semaphore, #tpu.memory_space<semaphore_mem>>) src(%dma_wait3A_43 : memref<624x128xf32, #tpu.memory_space<hbm>>) dst(%dma_wait3A_41 : memref<624x128xf32, #tpu.memory_space<vmem_shared>>)
      tpu.yield
    }) : () -> ()
    %eq3A = arith.constant 0 : i32
    %eq3A_3 = arith.cmpi eq, %arg1, %eq3A : i32
    %convert_element_type3A = arith.extui %eq3A_3 : i1 to i32
    %cond3A = arith.constant 0 : i32
    %cond3A_4 = arith.cmpi ne, %convert_element_type3A, %cond3A : i32
    scf.if %cond3A_4 {
      "tpu.region"() ({
        %run_scoped3A_35 = tpu.sem_alloc : memref<!tpu.dma_semaphore, #tpu.memory_space<semaphore_mem>>
        %dma_start3A_36 = arith.constant 9984 : i32
        %dma_start3A_37 = arith.constant 0 : i32
        %dma_start3A_38 = tpu.memref_slice %arg11[%dma_start3A_36, %dma_start3A_37] : memref<10000x128xf32, #tpu.memory_space<vmem_shared>> -> memref<16x128xf32, #tpu.memory_space<vmem_shared>>
        %dma_start3A_39 = arith.constant 9984 : i32
        %dma_start3A_40 = arith.constant 0 : i32
        %dma_start3A_41 = tpu.memref_slice %arg4[%dma_start3A_39, %dma_start3A_40] : memref<10000x128xf32, #tpu.memory_space<hbm>> -> memref<16x128xf32, #tpu.memory_space<hbm>>
        tpu.enqueue_dma source(%dma_start3A_41 : memref<16x128xf32, #tpu.memory_space<hbm>>) target(%dma_start3A_38 : memref<16x128xf32, #tpu.memory_space<vmem_shared>>) target_semaphore(%run_scoped3A_35 : memref<!tpu.dma_semaphore, #tpu.memory_space<semaphore_mem>>)
        %dma_wait3A_42 = arith.constant 9984 : i32
        %dma_wait3A_43 = arith.constant 0 : i32
        %dma_wait3A_44 = tpu.memref_slice %arg11[%dma_wait3A_42, %dma_wait3A_43] : memref<10000x128xf32, #tpu.memory_space<vmem_shared>> -> memref<16x128xf32, #tpu.memory_space<vmem_shared>>
        %dma_wait3A_45 = arith.constant 9984 : i32
        %dma_wait3A_46 = arith.constant 0 : i32
        %dma_wait3A_47 = tpu.memref_slice %arg4[%dma_wait3A_45, %dma_wait3A_46] : memref<10000x128xf32, #tpu.memory_space<hbm>> -> memref<16x128xf32, #tpu.memory_space<hbm>>
        tpu.wait_dma2 semaphore(%run_scoped3A_35 : memref<!tpu.dma_semaphore, #tpu.memory_space<semaphore_mem>>) src(%dma_wait3A_47 : memref<16x128xf32, #tpu.memory_space<hbm>>) dst(%dma_wait3A_44 : memref<16x128xf32, #tpu.memory_space<vmem_shared>>)
        tpu.yield
      }) : () -> ()
    } else {
    }
    %barrier3A = arith.constant 0 : index
    tpu.barrier barrier_id(%barrier3A)
    %mul3A_5 = arith.constant 16 : i32
    %mul3A_6 = arith.muli %arg0, %mul3A_5 : i32
    %add3A = arith.addi %mul3A_6, %arg1 : i32
    %mul3A_7 = arith.constant 10000 : i32
    %mul3A_8 = arith.muli %add3A, %mul3A_7 : i32
    %run_scoped3A = arith.constant 0 : i32
    "tpu.region"() ({
      %run_scoped3A_35 = tpu.sem_alloc : memref<!tpu.dma_semaphore, #tpu.memory_space<semaphore_mem>>
      %dma_start3A_36 = arith.constant 0 : i32
      %dma_start3A_37 = tpu.memref_slice %arg6[%run_scoped3A, %dma_start3A_36] : memref<2x128xi32, #tpu.memory_space<vmem>> -> memref<1x128xi32, #tpu.memory_space<vmem>>
      %dma_start3A_38 = tpu.memref_squeeze %dma_start3A_37 : memref<1x128xi32, #tpu.memory_space<vmem>> -> memref<128xi32, #tpu.memory_space<vmem>>
      %dma_start3A_39 = tpu.memref_slice %arg3[%mul3A_8] : memref<320000xi32, #tpu.memory_space<hbm>> -> memref<128xi32, #tpu.memory_space<hbm>>
      %dma_start3A_40 = arith.constant 0 : i32
      %dma_start3A_41 = tpu.memref_slice %arg6[%run_scoped3A, %dma_start3A_40] : memref<2x128xi32, #tpu.memory_space<vmem>> -> memref<1x128xi32, #tpu.memory_space<vmem>>
      %dma_start3A_42 = tpu.memref_squeeze %dma_start3A_41 : memref<1x128xi32, #tpu.memory_space<vmem>> -> memref<128xi32, #tpu.memory_space<vmem>>
      %dma_start3A_43 = tpu.memref_slice %arg3[%mul3A_8] : memref<320000xi32, #tpu.memory_space<hbm>> -> memref<128xi32, #tpu.memory_space<hbm>>
      tpu.enqueue_dma source(%dma_start3A_43 : memref<128xi32, #tpu.memory_space<hbm>>) target(%dma_start3A_42 : memref<128xi32, #tpu.memory_space<vmem>>) target_semaphore(%run_scoped3A_35 : memref<!tpu.dma_semaphore, #tpu.memory_space<semaphore_mem>>)
      %dma_wait3A_44 = arith.constant 0 : i32
      %dma_wait3A_45 = tpu.memref_slice %arg6[%run_scoped3A, %dma_wait3A_44] : memref<2x128xi32, #tpu.memory_space<vmem>> -> memref<1x128xi32, #tpu.memory_space<vmem>>
      %dma_wait3A_46 = tpu.memref_squeeze %dma_wait3A_45 : memref<1x128xi32, #tpu.memory_space<vmem>> -> memref<128xi32, #tpu.memory_space<vmem>>
      %dma_wait3A_47 = tpu.memref_slice %arg3[%mul3A_8] : memref<320000xi32, #tpu.memory_space<hbm>> -> memref<128xi32, #tpu.memory_space<hbm>>
      %dma_wait3A_48 = arith.constant 0 : i32
      %dma_wait3A_49 = tpu.memref_slice %arg6[%run_scoped3A, %dma_wait3A_48] : memref<2x128xi32, #tpu.memory_space<vmem>> -> memref<1x128xi32, #tpu.memory_space<vmem>>
      %dma_wait3A_50 = tpu.memref_squeeze %dma_wait3A_49 : memref<1x128xi32, #tpu.memory_space<vmem>> -> memref<128xi32, #tpu.memory_space<vmem>>
      %dma_wait3A_51 = tpu.memref_slice %arg3[%mul3A_8] : memref<320000xi32, #tpu.memory_space<hbm>> -> memref<128xi32, #tpu.memory_space<hbm>>
      tpu.wait_dma2 semaphore(%run_scoped3A_35 : memref<!tpu.dma_semaphore, #tpu.memory_space<semaphore_mem>>) src(%dma_wait3A_51 : memref<128xi32, #tpu.memory_space<hbm>>) dst(%dma_wait3A_50 : memref<128xi32, #tpu.memory_space<vmem>>)
      tpu.yield
    }) : () -> ()
    %dma_start3A = arith.constant 0 : i32
    %dma_start3A_9 = tpu.memref_slice %arg2[%mul3A_8, %dma_start3A] : memref<320000x128xf32, #tpu.memory_space<hbm>> -> memref<128x128xf32, #tpu.memory_space<hbm>>
    %dma_start3A_10 = arith.constant 0 : i32
    %dma_start3A_11 = tpu.memref_slice %arg2[%mul3A_8, %dma_start3A_10] : memref<320000x128xf32, #tpu.memory_space<hbm>> -> memref<128x128xf32, #tpu.memory_space<hbm>>
    tpu.enqueue_dma source(%dma_start3A_11 : memref<128x128xf32, #tpu.memory_space<hbm>>) target(%arg7 : memref<128x128xf32, #tpu.memory_space<vmem>>) target_semaphore(%arg13 : memref<!tpu.dma_semaphore, #tpu.memory_space<semaphore_mem>>)
    %dma_wait3A = arith.constant 0 : i32
    %dma_wait3A_12 = tpu.memref_slice %arg2[%mul3A_8, %dma_wait3A] : memref<320000x128xf32, #tpu.memory_space<hbm>> -> memref<128x128xf32, #tpu.memory_space<hbm>>
    %dma_wait3A_13 = arith.constant 0 : i32
    %dma_wait3A_14 = tpu.memref_slice %arg2[%mul3A_8, %dma_wait3A_13] : memref<320000x128xf32, #tpu.memory_space<hbm>> -> memref<128x128xf32, #tpu.memory_space<hbm>>
    tpu.wait_dma2 semaphore(%arg13 : memref<!tpu.dma_semaphore, #tpu.memory_space<semaphore_mem>>) src(%dma_wait3A_14 : memref<128x128xf32, #tpu.memory_space<hbm>>) dst(%arg7 : memref<128x128xf32, #tpu.memory_space<vmem>>)
    %scan3A = arith.constant 0 : i32
    %scan3A_15 = arith.constant 0 : i32
    %scan3A_16 = arith.constant 39 : i32
    %scan3A_17 = arith.addi %scan3A_15, %scan3A_16 : i32
    %scan3A_18 = arith.constant 1 : i32
    scf.for %scan3A_35 = %scan3A_15 to %scan3A_17 step %scan3A_18  : i32 {
      %mul3A_36 = arith.constant 2 : i32
      %mul3A_37 = arith.muli %mul3A_36, %scan3A_35 : i32
      %add3A_38 = arith.constant 1 : i32
      %add3A_39 = arith.addi %mul3A_37, %add3A_38 : i32
      %mul3A_40 = arith.constant 128 : i32
      %mul3A_41 = arith.muli %add3A_39, %mul3A_40 : i32
      %add3A_42 = arith.addi %mul3A_8, %mul3A_41 : i32
      %add3A_43 = arith.constant 2 : i32
      %add3A_44 = arith.addi %mul3A_37, %add3A_43 : i32
      %mul3A_45 = arith.constant 128 : i32
      %mul3A_46 = arith.muli %add3A_44, %mul3A_45 : i32
      %add3A_47 = arith.addi %mul3A_8, %mul3A_46 : i32
      %dma_start3A_48 = arith.constant 1 : i32
      %dma_start3A_49 = arith.constant 0 : i32
      %dma_start3A_50 = tpu.memref_slice %arg6[%dma_start3A_48, %dma_start3A_49] : memref<2x128xi32, #tpu.memory_space<vmem>> -> memref<1x128xi32, #tpu.memory_space<vmem>>
      %dma_start3A_51 = tpu.memref_squeeze %dma_start3A_50 : memref<1x128xi32, #tpu.memory_space<vmem>> -> memref<128xi32, #tpu.memory_space<vmem>>
      %dma_start3A_52 = tpu.memref_slice %arg3[%add3A_42] : memref<320000xi32, #tpu.memory_space<hbm>> -> memref<128xi32, #tpu.memory_space<hbm>>
      %dma_start3A_53 = arith.constant 0 : i32
      %dma_start3A_54 = tpu.memref_slice %arg6[%dma_start3A_48, %dma_start3A_53] : memref<2x128xi32, #tpu.memory_space<vmem>> -> memref<1x128xi32, #tpu.memory_space<vmem>>
      %dma_start3A_55 = tpu.memref_squeeze %dma_start3A_54 : memref<1x128xi32, #tpu.memory_space<vmem>> -> memref<128xi32, #tpu.memory_space<vmem>>
      %dma_start3A_56 = tpu.memref_slice %arg3[%add3A_42] : memref<320000xi32, #tpu.memory_space<hbm>> -> memref<128xi32, #tpu.memory_space<hbm>>
      tpu.enqueue_dma source(%dma_start3A_56 : memref<128xi32, #tpu.memory_space<hbm>>) target(%dma_start3A_55 : memref<128xi32, #tpu.memory_space<vmem>>) target_semaphore(%arg12 : memref<!tpu.dma_semaphore, #tpu.memory_space<semaphore_mem>>)
      %dma_wait3A_57 = arith.constant 1 : i32
      %dma_wait3A_58 = arith.constant 0 : i32
      %dma_wait3A_59 = tpu.memref_slice %arg6[%dma_wait3A_57, %dma_wait3A_58] : memref<2x128xi32, #tpu.memory_space<vmem>> -> memref<1x128xi32, #tpu.memory_space<vmem>>
      %dma_wait3A_60 = tpu.memref_squeeze %dma_wait3A_59 : memref<1x128xi32, #tpu.memory_space<vmem>> -> memref<128xi32, #tpu.memory_space<vmem>>
      %dma_wait3A_61 = tpu.memref_slice %arg3[%add3A_42] : memref<320000xi32, #tpu.memory_space<hbm>> -> memref<128xi32, #tpu.memory_space<hbm>>
      %dma_wait3A_62 = arith.constant 0 : i32
      %dma_wait3A_63 = tpu.memref_slice %arg6[%dma_wait3A_57, %dma_wait3A_62] : memref<2x128xi32, #tpu.memory_space<vmem>> -> memref<1x128xi32, #tpu.memory_space<vmem>>
      %dma_wait3A_64 = tpu.memref_squeeze %dma_wait3A_63 : memref<1x128xi32, #tpu.memory_space<vmem>> -> memref<128xi32, #tpu.memory_space<vmem>>
      %dma_wait3A_65 = tpu.memref_slice %arg3[%add3A_42] : memref<320000xi32, #tpu.memory_space<hbm>> -> memref<128xi32, #tpu.memory_space<hbm>>
      tpu.wait_dma2 semaphore(%arg12 : memref<!tpu.dma_semaphore, #tpu.memory_space<semaphore_mem>>) src(%dma_wait3A_65 : memref<128xi32, #tpu.memory_space<hbm>>) dst(%dma_wait3A_64 : memref<128xi32, #tpu.memory_space<vmem>>)
      %dma_start3A_66 = arith.constant 0 : i32
      %dma_start3A_67 = tpu.memref_slice %arg2[%add3A_42, %dma_start3A_66] : memref<320000x128xf32, #tpu.memory_space<hbm>> -> memref<128x128xf32, #tpu.memory_space<hbm>>
      %dma_start3A_68 = arith.constant 0 : i32
      %dma_start3A_69 = tpu.memref_slice %arg2[%add3A_42, %dma_start3A_68] : memref<320000x128xf32, #tpu.memory_space<hbm>> -> memref<128x128xf32, #tpu.memory_space<hbm>>
      tpu.enqueue_dma source(%dma_start3A_69 : memref<128x128xf32, #tpu.memory_space<hbm>>) target(%arg8 : memref<128x128xf32, #tpu.memory_space<vmem>>) target_semaphore(%arg14 : memref<!tpu.dma_semaphore, #tpu.memory_space<semaphore_mem>>)
      %dma_start3A_70 = arith.constant 0 : i32
      %dma_start3A_71 = arith.constant 0 : i32
      %dma_start3A_72 = tpu.memref_slice %arg6[%dma_start3A_70, %dma_start3A_71] : memref<2x128xi32, #tpu.memory_space<vmem>> -> memref<1x128xi32, #tpu.memory_space<vmem>>
      %dma_start3A_73 = tpu.memref_squeeze %dma_start3A_72 : memref<1x128xi32, #tpu.memory_space<vmem>> -> memref<128xi32, #tpu.memory_space<vmem>>
      %dma_start3A_74 = arith.constant 0 : i32
      %dma_start3A_75 = arith.constant 0 : i32
      %dma_start3A_76 = tpu.memref_slice %arg11[%dma_start3A_74, %dma_start3A_75] : memref<10000x128xf32, #tpu.memory_space<vmem_shared>> -> memref<10000x128xf32, #tpu.memory_space<vmem_shared>>
      tpu.enqueue_indirect_dma source(%arg7 : memref<128x128xf32, #tpu.memory_space<vmem>>) target(%dma_start3A_76 : memref<10000x128xf32, #tpu.memory_space<vmem_shared>>) offsets(%dma_start3A_73 : memref<128xi32, #tpu.memory_space<vmem>>) semaphore(%arg15 : memref<!tpu.dma_semaphore, #tpu.memory_space<semaphore_mem>>) {add = true}
      %dma_wait3A_77 = arith.constant 0 : i32
      %dma_wait3A_78 = arith.constant 0 : i32
      %dma_wait3A_79 = tpu.memref_slice %arg6[%dma_wait3A_77, %dma_wait3A_78] : memref<2x128xi32, #tpu.memory_space<vmem>> -> memref<1x128xi32, #tpu.memory_space<vmem>>
      %dma_wait3A_80 = tpu.memref_squeeze %dma_wait3A_79 : memref<1x128xi32, #tpu.memory_space<vmem>> -> memref<128xi32, #tpu.memory_space<vmem>>
      %dma_wait3A_81 = arith.constant 0 : i32
      %dma_wait3A_82 = arith.constant 0 : i32
      %dma_wait3A_83 = tpu.memref_slice %arg11[%dma_wait3A_81, %dma_wait3A_82] : memref<10000x128xf32, #tpu.memory_space<vmem_shared>> -> memref<10000x128xf32, #tpu.memory_space<vmem_shared>>
      tpu.wait_indirect_dma semaphore(%arg15 : memref<!tpu.dma_semaphore, #tpu.memory_space<semaphore_mem>>) src(%arg7 : memref<128x128xf32, #tpu.memory_space<vmem>>) dst(%dma_wait3A_83 : memref<10000x128xf32, #tpu.memory_space<vmem_shared>>)
      %dma_wait3A_84 = arith.constant 0 : i32
      %dma_wait3A_85 = tpu.memref_slice %arg2[%add3A_42, %dma_wait3A_84] : memref<320000x128xf32, #tpu.memory_space<hbm>> -> memref<128x128xf32, #tpu.memory_space<hbm>>
      %dma_wait3A_86 = arith.constant 0 : i32
      %dma_wait3A_87 = tpu.memref_slice %arg2[%add3A_42, %dma_wait3A_86] : memref<320000x128xf32, #tpu.memory_space<hbm>> -> memref<128x128xf32, #tpu.memory_space<hbm>>
      tpu.wait_dma2 semaphore(%arg14 : memref<!tpu.dma_semaphore, #tpu.memory_space<semaphore_mem>>) src(%dma_wait3A_87 : memref<128x128xf32, #tpu.memory_space<hbm>>) dst(%arg8 : memref<128x128xf32, #tpu.memory_space<vmem>>)
      %add3A_88 = arith.constant 1 : i32
      %add3A_89 = arith.addi %scan3A_35, %add3A_88 : i32
      %lt3A = arith.constant 39 : i32
      %lt3A_90 = arith.cmpi slt, %add3A_89, %lt3A : i32
      %convert_element_type3A_91 = arith.extui %lt3A_90 : i1 to i32
      %cond3A_92 = arith.constant 0 : i32
      %cond3A_93 = arith.cmpi ne, %convert_element_type3A_91, %cond3A_92 : i32
      scf.if %cond3A_93 {
        %dma_start3A_115 = arith.constant 0 : i32
        %dma_start3A_116 = arith.constant 0 : i32
        %dma_start3A_117 = tpu.memref_slice %arg6[%dma_start3A_115, %dma_start3A_116] : memref<2x128xi32, #tpu.memory_space<vmem>> -> memref<1x128xi32, #tpu.memory_space<vmem>>
        %dma_start3A_118 = tpu.memref_squeeze %dma_start3A_117 : memref<1x128xi32, #tpu.memory_space<vmem>> -> memref<128xi32, #tpu.memory_space<vmem>>
        %dma_start3A_119 = tpu.memref_slice %arg3[%add3A_47] : memref<320000xi32, #tpu.memory_space<hbm>> -> memref<128xi32, #tpu.memory_space<hbm>>
        %dma_start3A_120 = arith.constant 0 : i32
        %dma_start3A_121 = tpu.memref_slice %arg6[%dma_start3A_115, %dma_start3A_120] : memref<2x128xi32, #tpu.memory_space<vmem>> -> memref<1x128xi32, #tpu.memory_space<vmem>>
        %dma_start3A_122 = tpu.memref_squeeze %dma_start3A_121 : memref<1x128xi32, #tpu.memory_space<vmem>> -> memref<128xi32, #tpu.memory_space<vmem>>
        %dma_start3A_123 = tpu.memref_slice %arg3[%add3A_47] : memref<320000xi32, #tpu.memory_space<hbm>> -> memref<128xi32, #tpu.memory_space<hbm>>
        tpu.enqueue_dma source(%dma_start3A_123 : memref<128xi32, #tpu.memory_space<hbm>>) target(%dma_start3A_122 : memref<128xi32, #tpu.memory_space<vmem>>) target_semaphore(%arg12 : memref<!tpu.dma_semaphore, #tpu.memory_space<semaphore_mem>>)
        %dma_wait3A_124 = arith.constant 0 : i32
        %dma_wait3A_125 = arith.constant 0 : i32
        %dma_wait3A_126 = tpu.memref_slice %arg6[%dma_wait3A_124, %dma_wait3A_125] : memref<2x128xi32, #tpu.memory_space<vmem>> -> memref<1x128xi32, #tpu.memory_space<vmem>>
        %dma_wait3A_127 = tpu.memref_squeeze %dma_wait3A_126 : memref<1x128xi32, #tpu.memory_space<vmem>> -> memref<128xi32, #tpu.memory_space<vmem>>
        %dma_wait3A_128 = tpu.memref_slice %arg3[%add3A_47] : memref<320000xi32, #tpu.memory_space<hbm>> -> memref<128xi32, #tpu.memory_space<hbm>>
        %dma_wait3A_129 = arith.constant 0 : i32
        %dma_wait3A_130 = tpu.memref_slice %arg6[%dma_wait3A_124, %dma_wait3A_129] : memref<2x128xi32, #tpu.memory_space<vmem>> -> memref<1x128xi32, #tpu.memory_space<vmem>>
        %dma_wait3A_131 = tpu.memref_squeeze %dma_wait3A_130 : memref<1x128xi32, #tpu.memory_space<vmem>> -> memref<128xi32, #tpu.memory_space<vmem>>
        %dma_wait3A_132 = tpu.memref_slice %arg3[%add3A_47] : memref<320000xi32, #tpu.memory_space<hbm>> -> memref<128xi32, #tpu.memory_space<hbm>>
        tpu.wait_dma2 semaphore(%arg12 : memref<!tpu.dma_semaphore, #tpu.memory_space<semaphore_mem>>) src(%dma_wait3A_132 : memref<128xi32, #tpu.memory_space<hbm>>) dst(%dma_wait3A_131 : memref<128xi32, #tpu.memory_space<vmem>>)
        %dma_start3A_133 = arith.constant 0 : i32
        %dma_start3A_134 = tpu.memref_slice %arg2[%add3A_47, %dma_start3A_133] : memref<320000x128xf32, #tpu.memory_space<hbm>> -> memref<128x128xf32, #tpu.memory_space<hbm>>
        %dma_start3A_135 = arith.constant 0 : i32
        %dma_start3A_136 = tpu.memref_slice %arg2[%add3A_47, %dma_start3A_135] : memref<320000x128xf32, #tpu.memory_space<hbm>> -> memref<128x128xf32, #tpu.memory_space<hbm>>
        tpu.enqueue_dma source(%dma_start3A_136 : memref<128x128xf32, #tpu.memory_space<hbm>>) target(%arg7 : memref<128x128xf32, #tpu.memory_space<vmem>>) target_semaphore(%arg13 : memref<!tpu.dma_semaphore, #tpu.memory_space<semaphore_mem>>)
      } else {
      }
      %dma_start3A_94 = arith.constant 1 : i32
      %dma_start3A_95 = arith.constant 0 : i32
      %dma_start3A_96 = tpu.memref_slice %arg6[%dma_start3A_94, %dma_start3A_95] : memref<2x128xi32, #tpu.memory_space<vmem>> -> memref<1x128xi32, #tpu.memory_space<vmem>>
      %dma_start3A_97 = tpu.memref_squeeze %dma_start3A_96 : memref<1x128xi32, #tpu.memory_space<vmem>> -> memref<128xi32, #tpu.memory_space<vmem>>
      %dma_start3A_98 = arith.constant 0 : i32
      %dma_start3A_99 = arith.constant 0 : i32
      %dma_start3A_100 = tpu.memref_slice %arg11[%dma_start3A_98, %dma_start3A_99] : memref<10000x128xf32, #tpu.memory_space<vmem_shared>> -> memref<10000x128xf32, #tpu.memory_space<vmem_shared>>
      tpu.enqueue_indirect_dma source(%arg8 : memref<128x128xf32, #tpu.memory_space<vmem>>) target(%dma_start3A_100 : memref<10000x128xf32, #tpu.memory_space<vmem_shared>>) offsets(%dma_start3A_97 : memref<128xi32, #tpu.memory_space<vmem>>) semaphore(%arg15 : memref<!tpu.dma_semaphore, #tpu.memory_space<semaphore_mem>>) {add = true}
      %dma_wait3A_101 = arith.constant 1 : i32
      %dma_wait3A_102 = arith.constant 0 : i32
      %dma_wait3A_103 = tpu.memref_slice %arg6[%dma_wait3A_101, %dma_wait3A_102] : memref<2x128xi32, #tpu.memory_space<vmem>> -> memref<1x128xi32, #tpu.memory_space<vmem>>
      %dma_wait3A_104 = tpu.memref_squeeze %dma_wait3A_103 : memref<1x128xi32, #tpu.memory_space<vmem>> -> memref<128xi32, #tpu.memory_space<vmem>>
      %dma_wait3A_105 = arith.constant 0 : i32
      %dma_wait3A_106 = arith.constant 0 : i32
      %dma_wait3A_107 = tpu.memref_slice %arg11[%dma_wait3A_105, %dma_wait3A_106] : memref<10000x128xf32, #tpu.memory_space<vmem_shared>> -> memref<10000x128xf32, #tpu.memory_space<vmem_shared>>
      tpu.wait_indirect_dma semaphore(%arg15 : memref<!tpu.dma_semaphore, #tpu.memory_space<semaphore_mem>>) src(%arg8 : memref<128x128xf32, #tpu.memory_space<vmem>>) dst(%dma_wait3A_107 : memref<10000x128xf32, #tpu.memory_space<vmem_shared>>)
      %add3A_108 = arith.constant 1 : i32
      %add3A_109 = arith.addi %scan3A_35, %add3A_108 : i32
      %lt3A_110 = arith.constant 39 : i32
      %lt3A_111 = arith.cmpi slt, %add3A_109, %lt3A_110 : i32
      %convert_element_type3A_112 = arith.extui %lt3A_111 : i1 to i32
      %cond3A_113 = arith.constant 0 : i32
      %cond3A_114 = arith.cmpi ne, %convert_element_type3A_112, %cond3A_113 : i32
      scf.if %cond3A_114 {
        %dma_wait3A_115 = arith.constant 0 : i32
        %dma_wait3A_116 = tpu.memref_slice %arg2[%add3A_47, %dma_wait3A_115] : memref<320000x128xf32, #tpu.memory_space<hbm>> -> memref<128x128xf32, #tpu.memory_space<hbm>>
        %dma_wait3A_117 = arith.constant 0 : i32
        %dma_wait3A_118 = tpu.memref_slice %arg2[%add3A_47, %dma_wait3A_117] : memref<320000x128xf32, #tpu.memory_space<hbm>> -> memref<128x128xf32, #tpu.memory_space<hbm>>
        tpu.wait_dma2 semaphore(%arg13 : memref<!tpu.dma_semaphore, #tpu.memory_space<semaphore_mem>>) src(%dma_wait3A_118 : memref<128x128xf32, #tpu.memory_space<hbm>>) dst(%arg7 : memref<128x128xf32, #tpu.memory_space<vmem>>)
      } else {
      }
    }
    %scan3A_19 = arith.constant 39 : i32
    %add3A_20 = arith.constant 9984 : i32
    %add3A_21 = arith.addi %mul3A_8, %add3A_20 : i32
    "tpu.region"() ({
      %run_scoped3A_35 = tpu.sem_alloc : memref<!tpu.dma_semaphore, #tpu.memory_space<semaphore_mem>>
      %dma_start3A_36 = tpu.memref_slice %arg3[%add3A_21] : memref<320000xi32, #tpu.memory_space<hbm>> -> memref<16xi32, #tpu.memory_space<hbm>>
      %dma_start3A_37 = tpu.memref_slice %arg3[%add3A_21] : memref<320000xi32, #tpu.memory_space<hbm>> -> memref<16xi32, #tpu.memory_space<hbm>>
      tpu.enqueue_dma source(%dma_start3A_37 : memref<16xi32, #tpu.memory_space<hbm>>) target(%arg9 : memref<16xi32, #tpu.memory_space<vmem>>) target_semaphore(%run_scoped3A_35 : memref<!tpu.dma_semaphore, #tpu.memory_space<semaphore_mem>>)
      %dma_wait3A_38 = tpu.memref_slice %arg3[%add3A_21] : memref<320000xi32, #tpu.memory_space<hbm>> -> memref<16xi32, #tpu.memory_space<hbm>>
      %dma_wait3A_39 = tpu.memref_slice %arg3[%add3A_21] : memref<320000xi32, #tpu.memory_space<hbm>> -> memref<16xi32, #tpu.memory_space<hbm>>
      tpu.wait_dma2 semaphore(%run_scoped3A_35 : memref<!tpu.dma_semaphore, #tpu.memory_space<semaphore_mem>>) src(%dma_wait3A_39 : memref<16xi32, #tpu.memory_space<hbm>>) dst(%arg9 : memref<16xi32, #tpu.memory_space<vmem>>)
      tpu.yield
    }) : () -> ()
    "tpu.region"() ({
      %run_scoped3A_35 = tpu.sem_alloc : memref<!tpu.dma_semaphore, #tpu.memory_space<semaphore_mem>>
      %dma_start3A_36 = arith.constant 0 : i32
      %dma_start3A_37 = tpu.memref_slice %arg2[%add3A_21, %dma_start3A_36] : memref<320000x128xf32, #tpu.memory_space<hbm>> -> memref<16x128xf32, #tpu.memory_space<hbm>>
      %dma_start3A_38 = arith.constant 0 : i32
      %dma_start3A_39 = tpu.memref_slice %arg2[%add3A_21, %dma_start3A_38] : memref<320000x128xf32, #tpu.memory_space<hbm>> -> memref<16x128xf32, #tpu.memory_space<hbm>>
      tpu.enqueue_dma source(%dma_start3A_39 : memref<16x128xf32, #tpu.memory_space<hbm>>) target(%arg10 : memref<16x128xf32, #tpu.memory_space<vmem>>) target_semaphore(%run_scoped3A_35 : memref<!tpu.dma_semaphore, #tpu.memory_space<semaphore_mem>>)
      %dma_wait3A_40 = arith.constant 0 : i32
      %dma_wait3A_41 = tpu.memref_slice %arg2[%add3A_21, %dma_wait3A_40] : memref<320000x128xf32, #tpu.memory_space<hbm>> -> memref<16x128xf32, #tpu.memory_space<hbm>>
      %dma_wait3A_42 = arith.constant 0 : i32
      %dma_wait3A_43 = tpu.memref_slice %arg2[%add3A_21, %dma_wait3A_42] : memref<320000x128xf32, #tpu.memory_space<hbm>> -> memref<16x128xf32, #tpu.memory_space<hbm>>
      tpu.wait_dma2 semaphore(%run_scoped3A_35 : memref<!tpu.dma_semaphore, #tpu.memory_space<semaphore_mem>>) src(%dma_wait3A_43 : memref<16x128xf32, #tpu.memory_space<hbm>>) dst(%arg10 : memref<16x128xf32, #tpu.memory_space<vmem>>)
      tpu.yield
    }) : () -> ()
    "tpu.region"() ({
      %run_scoped3A_35 = tpu.sem_alloc : memref<!tpu.dma_semaphore, #tpu.memory_space<semaphore_mem>>
      %dma_start3A_36 = arith.constant 0 : i32
      %dma_start3A_37 = arith.constant 0 : i32
      %dma_start3A_38 = tpu.memref_slice %arg11[%dma_start3A_36, %dma_start3A_37] : memref<10000x128xf32, #tpu.memory_space<vmem_shared>> -> memref<10000x128xf32, #tpu.memory_space<vmem_shared>>
      tpu.enqueue_indirect_dma source(%arg10 : memref<16x128xf32, #tpu.memory_space<vmem>>) target(%dma_start3A_38 : memref<10000x128xf32, #tpu.memory_space<vmem_shared>>) offsets(%arg9 : memref<16xi32, #tpu.memory_space<vmem>>) semaphore(%run_scoped3A_35 : memref<!tpu.dma_semaphore, #tpu.memory_space<semaphore_mem>>) {add = true}
      %dma_wait3A_39 = arith.constant 0 : i32
      %dma_wait3A_40 = arith.constant 0 : i32
      %dma_wait3A_41 = tpu.memref_slice %arg11[%dma_wait3A_39, %dma_wait3A_40] : memref<10000x128xf32, #tpu.memory_space<vmem_shared>> -> memref<10000x128xf32, #tpu.memory_space<vmem_shared>>
      tpu.wait_indirect_dma semaphore(%run_scoped3A_35 : memref<!tpu.dma_semaphore, #tpu.memory_space<semaphore_mem>>) src(%arg10 : memref<16x128xf32, #tpu.memory_space<vmem>>) dst(%dma_wait3A_41 : memref<10000x128xf32, #tpu.memory_space<vmem_shared>>)
      tpu.yield
    }) : () -> ()
    %barrier3A_22 = arith.constant 0 : index
    tpu.barrier barrier_id(%barrier3A_22)
    %mul3A_23 = arith.constant 624 : i32
    %mul3A_24 = arith.muli %arg1, %mul3A_23 : i32
    %mul3A_25 = arith.constant 10000 : i32
    %mul3A_26 = arith.muli %arg0, %mul3A_25 : i32
    %mul3A_27 = arith.constant 624 : i32
    %mul3A_28 = arith.muli %arg1, %mul3A_27 : i32
    %add3A_29 = arith.addi %mul3A_26, %mul3A_28 : i32
    "tpu.region"() ({
      %run_scoped3A_35 = tpu.sem_alloc : memref<!tpu.dma_semaphore, #tpu.memory_space<semaphore_mem>>
      %dma_start3A_36 = arith.constant 0 : i32
      %dma_start3A_37 = tpu.memref_slice %arg5[%add3A_29, %dma_start3A_36] : memref<20000x128xf32, #tpu.memory_space<hbm>> -> memref<624x128xf32, #tpu.memory_space<hbm>>
      %dma_start3A_38 = arith.constant 0 : i32
      %dma_start3A_39 = tpu.memref_slice %arg11[%mul3A_24, %dma_start3A_38] : memref<10000x128xf32, #tpu.memory_space<vmem_shared>> -> memref<624x128xf32, #tpu.memory_space<vmem_shared>>
      tpu.enqueue_dma source(%dma_start3A_39 : memref<624x128xf32, #tpu.memory_space<vmem_shared>>) target(%dma_start3A_37 : memref<624x128xf32, #tpu.memory_space<hbm>>) target_semaphore(%run_scoped3A_35 : memref<!tpu.dma_semaphore, #tpu.memory_space<semaphore_mem>>)
      %dma_wait3A_40 = arith.constant 0 : i32
      %dma_wait3A_41 = tpu.memref_slice %arg5[%add3A_29, %dma_wait3A_40] : memref<20000x128xf32, #tpu.memory_space<hbm>> -> memref<624x128xf32, #tpu.memory_space<hbm>>
      %dma_wait3A_42 = arith.constant 0 : i32
      %dma_wait3A_43 = tpu.memref_slice %arg11[%mul3A_24, %dma_wait3A_42] : memref<10000x128xf32, #tpu.memory_space<vmem_shared>> -> memref<624x128xf32, #tpu.memory_space<vmem_shared>>
      tpu.wait_dma2 semaphore(%run_scoped3A_35 : memref<!tpu.dma_semaphore, #tpu.memory_space<semaphore_mem>>) src(%dma_wait3A_43 : memref<624x128xf32, #tpu.memory_space<vmem_shared>>) dst(%dma_wait3A_41 : memref<624x128xf32, #tpu.memory_space<hbm>>)
      tpu.yield
    }) : () -> ()
    %eq3A_30 = arith.constant 0 : i32
    %eq3A_31 = arith.cmpi eq, %arg1, %eq3A_30 : i32
    %convert_element_type3A_32 = arith.extui %eq3A_31 : i1 to i32
    %cond3A_33 = arith.constant 0 : i32
    %cond3A_34 = arith.cmpi ne, %convert_element_type3A_32, %cond3A_33 : i32
    scf.if %cond3A_34 {
      %mul3A_35 = arith.constant 10000 : i32
      %mul3A_36 = arith.muli %arg0, %mul3A_35 : i32
      %add3A_37 = arith.constant 9984 : i32
      %add3A_38 = arith.addi %mul3A_36, %add3A_37 : i32
      "tpu.region"() ({
        %run_scoped3A_39 = tpu.sem_alloc : memref<!tpu.dma_semaphore, #tpu.memory_space<semaphore_mem>>
        %dma_start3A_40 = arith.constant 0 : i32
        %dma_start3A_41 = tpu.memref_slice %arg5[%add3A_38, %dma_start3A_40] : memref<20000x128xf32, #tpu.memory_space<hbm>> -> memref<16x128xf32, #tpu.memory_space<hbm>>
        %dma_start3A_42 = arith.constant 9984 : i32
        %dma_start3A_43 = arith.constant 0 : i32
        %dma_start3A_44 = tpu.memref_slice %arg11[%dma_start3A_42, %dma_start3A_43] : memref<10000x128xf32, #tpu.memory_space<vmem_shared>> -> memref<16x128xf32, #tpu.memory_space<vmem_shared>>
        tpu.enqueue_dma source(%dma_start3A_44 : memref<16x128xf32, #tpu.memory_space<vmem_shared>>) target(%dma_start3A_41 : memref<16x128xf32, #tpu.memory_space<hbm>>) target_semaphore(%run_scoped3A_39 : memref<!tpu.dma_semaphore, #tpu.memory_space<semaphore_mem>>)
        %dma_wait3A_45 = arith.constant 0 : i32
        %dma_wait3A_46 = tpu.memref_slice %arg5[%add3A_38, %dma_wait3A_45] : memref<20000x128xf32, #tpu.memory_space<hbm>> -> memref<16x128xf32, #tpu.memory_space<hbm>>
        %dma_wait3A_47 = arith.constant 9984 : i32
        %dma_wait3A_48 = arith.constant 0 : i32
        %dma_wait3A_49 = tpu.memref_slice %arg11[%dma_wait3A_47, %dma_wait3A_48] : memref<10000x128xf32, #tpu.memory_space<vmem_shared>> -> memref<16x128xf32, #tpu.memory_space<vmem_shared>>
        tpu.wait_dma2 semaphore(%run_scoped3A_39 : memref<!tpu.dma_semaphore, #tpu.memory_space<semaphore_mem>>) src(%dma_wait3A_49 : memref<16x128xf32, #tpu.memory_space<vmem_shared>>) dst(%dma_wait3A_46 : memref<16x128xf32, #tpu.memory_space<hbm>>)
        tpu.yield
      }) : () -> ()
    } else {
    }
    return
  }
}

module attributes {stable_mosaic.version = 14 : i64} {
  func.func @body(%arg0: memref<10000x128xf32, #tpu.memory_space<vmem>>, %arg1: memref<128x128xf32, #tpu.memory_space<vmem>>, %arg2: memref<128x128xf32, #tpu.memory_space<vmem>>, %arg3: memref<10000x128xf32, #tpu.memory_space<vmem>>, %arg4: memref<10000x128xf32, #tpu.memory_space<vmem>>) attributes {dimension_semantics = [], scalar_prefetch = 0 : i64, scratch_operands = 0 : i64, tpu.core_type = #tpu.core_type<tc>} {
    %get3A = arith.constant 0 : index
    %get3A_0 = arith.constant 0 : index
    %get3A_1 = vector.load %arg0[%get3A, %get3A_0] : memref<10000x128xf32, #tpu.memory_space<vmem>>, vector<10000x128xf32>
    %get3A_2 = arith.constant 0 : index
    %get3A_3 = arith.constant 0 : index
    %get3A_4 = vector.load %arg1[%get3A_2, %get3A_3] : memref<128x128xf32, #tpu.memory_space<vmem>>, vector<128x128xf32>
    %dot_general3A = arith.constant dense<0.000000e+00> : vector<10000x128xf32>
    %dot_general3A_5 = tpu.matmul %get3A_1, %get3A_4, %dot_general3A {dimension_numbers = #tpu.dot_dimension_numbers<[1], [0], [0], [1], [0, 0, 1, 1], [], []>, transpose_lhs_hint = false} : vector<10000x128xf32>, vector<128x128xf32>, vector<10000x128xf32> -> vector<10000x128xf32>
    %swap3A = arith.constant 0 : index
    %swap3A_6 = arith.constant 0 : index
    %swap3A_7 = vector.load %arg3[%swap3A, %swap3A_6] : memref<10000x128xf32, #tpu.memory_space<vmem>>, vector<10000x128xf32>
    tpu.vector_store %arg3[%swap3A, %swap3A_6], %dot_general3A_5 {strides = array<i32>} : memref<10000x128xf32, #tpu.memory_space<vmem>>, vector<10000x128xf32>,
    %get3A_8 = arith.constant 0 : index
    %get3A_9 = arith.constant 0 : index
    %get3A_10 = vector.load %arg2[%get3A_8, %get3A_9] : memref<128x128xf32, #tpu.memory_space<vmem>>, vector<128x128xf32>
    %dot_general3A_11 = arith.constant dense<0.000000e+00> : vector<10000x128xf32>
    %dot_general3A_12 = tpu.matmul %get3A_1, %get3A_10, %dot_general3A_11 {dimension_numbers = #tpu.dot_dimension_numbers<[1], [0], [0], [1], [0, 0, 1, 1], [], []>, transpose_lhs_hint = false} : vector<10000x128xf32>, vector<128x128xf32>, vector<10000x128xf32> -> vector<10000x128xf32>
    %swap3A_13 = arith.constant 0 : index
    %swap3A_14 = arith.constant 0 : index
    %swap3A_15 = vector.load %arg4[%swap3A_13, %swap3A_14] : memref<10000x128xf32, #tpu.memory_space<vmem>>, vector<10000x128xf32>
    tpu.vector_store %arg4[%swap3A_13, %swap3A_14], %dot_general3A_12 {strides = array<i32>} : memref<10000x128xf32, #tpu.memory_space<vmem>>, vector<10000x128xf32>,
    return
  }
}

module attributes {stable_mosaic.version = 14 : i64} {
  func.func @body(%arg0: i32, %arg1: memref<4000x128xf32, #tpu.memory_space<vmem>>, %arg2: memref<4000x128xf32, #tpu.memory_space<vmem>>, %arg3: memref<128x128xbf16, #tpu.memory_space<vmem>>, %arg4: memref<1x128xf32, #tpu.memory_space<vmem>>, %arg5: memref<128x128xbf16, #tpu.memory_space<vmem>>, %arg6: memref<1x128xf32, #tpu.memory_space<vmem>>, %arg7: memref<128x128xbf16, #tpu.memory_space<vmem>>, %arg8: memref<1x128xf32, #tpu.memory_space<vmem>>, %arg9: memref<128x128xbf16, #tpu.memory_space<vmem>>, %arg10: memref<1x128xf32, #tpu.memory_space<vmem>>, %arg11: memref<1x128xf32, #tpu.memory_space<vmem>>, %arg12: memref<1x128xf32, #tpu.memory_space<vmem>>, %arg13: memref<4000x128xf32, #tpu.memory_space<vmem>>) attributes {dimension_semantics = [#tpu.dimension_semantics<arbitrary>], iteration_bounds = array<i64: 80>, scalar_prefetch = 0 : i64, scratch_operands = 0 : i64, tpu.core_type = #tpu.core_type<tc>, window_params = [{transform_indices = @transform_0, window_bounds = array<i64: 4000, 128>}, {transform_indices = @transform_1, window_bounds = array<i64: 4000, 128>}, {pipeline_mode = #tpu.pipeline_mode<synchronous>, transform_indices = @transform_2, window_bounds = array<i64: 128, 128>}, {pipeline_mode = #tpu.pipeline_mode<synchronous>, transform_indices = @transform_3, window_bounds = array<i64: 1, 128>}, {pipeline_mode = #tpu.pipeline_mode<synchronous>, transform_indices = @transform_4, window_bounds = array<i64: 128, 128>}, {pipeline_mode = #tpu.pipeline_mode<synchronous>, transform_indices = @transform_5, window_bounds = array<i64: 1, 128>}, {pipeline_mode = #tpu.pipeline_mode<synchronous>, transform_indices = @transform_6, window_bounds = array<i64: 128, 128>}, {pipeline_mode = #tpu.pipeline_mode<synchronous>, transform_indices = @transform_7, window_bounds = array<i64: 1, 128>}, {pipeline_mode = #tpu.pipeline_mode<synchronous>, transform_indices = @transform_8, window_bounds = array<i64: 128, 128>}, {pipeline_mode = #tpu.pipeline_mode<synchronous>, transform_indices = @transform_9, window_bounds = array<i64: 1, 128>}, {pipeline_mode = #tpu.pipeline_mode<synchronous>, transform_indices = @transform_10, window_bounds = array<i64: 1, 128>}, {pipeline_mode = #tpu.pipeline_mode<synchronous>, transform_indices = @transform_11, window_bounds = array<i64: 1, 128>}, {transform_indices = @transform_12, window_bounds = array<i64: 4000, 128>}]} {
    %get3A = arith.constant 0 : index
    %get3A_0 = arith.constant 0 : index
    %get3A_1 = vector.load %arg2[%get3A, %get3A_0] : memref<4000x128xf32, #tpu.memory_space<vmem>>, vector<4000x128xf32>
    %get3A_2 = arith.constant 0 : index
    %get3A_3 = arith.constant 0 : index
    %get3A_4 = vector.load %arg1[%get3A_2, %get3A_3] : memref<4000x128xf32, #tpu.memory_space<vmem>>, vector<4000x128xf32>
    %get3A_5 = arith.constant 0 : index
    %get3A_6 = arith.constant 0 : index
    %get3A_7 = vector.load %arg4[%get3A_5, %get3A_6] : memref<1x128xf32, #tpu.memory_space<vmem>>, vector<1x128xf32>
    %add3A = vector.broadcast %get3A_7 : vector<1x128xf32> to vector<4000x128xf32>
    %add3A_8 = arith.addf %get3A_4, %add3A : vector<4000x128xf32>
    %convert_element_type3A = arith.truncf %get3A_1 : vector<4000x128xf32> to vector<4000x128xbf16>
    %get3A_9 = arith.constant 0 : index
    %get3A_10 = arith.constant 0 : index
    %get3A_11 = vector.load %arg3[%get3A_9, %get3A_10] : memref<128x128xbf16, #tpu.memory_space<vmem>>, vector<128x128xbf16>
    %dot_general3A = arith.constant dense<0.000000e+00> : vector<4000x128xf32>
    %dot_general3A_12 = tpu.matmul %convert_element_type3A, %get3A_11, %dot_general3A {dimension_numbers = #tpu.dot_dimension_numbers<[1], [0], [0], [1], [0, 0, 1, 1], [], []>, transpose_lhs_hint = false} : vector<4000x128xbf16>, vector<128x128xbf16>, vector<4000x128xf32> -> vector<4000x128xf32>
    %add3A_13 = arith.addf %add3A_8, %dot_general3A_12 : vector<4000x128xf32>
    %max3A = arith.constant 0.000000e+00 : f32
    %max3A_14 = vector.broadcast %max3A : f32 to vector<4000x128xf32>
    %max3A_15 = arith.maximumf %add3A_13, %max3A_14 : vector<4000x128xf32>
    %convert_element_type3A_16 = arith.truncf %max3A_15 : vector<4000x128xf32> to vector<4000x128xbf16>
    %get3A_17 = arith.constant 0 : index
    %get3A_18 = arith.constant 0 : index
    %get3A_19 = vector.load %arg5[%get3A_17, %get3A_18] : memref<128x128xbf16, #tpu.memory_space<vmem>>, vector<128x128xbf16>
    %dot_general3A_20 = arith.constant dense<0.000000e+00> : vector<4000x128xf32>
    %dot_general3A_21 = tpu.matmul %convert_element_type3A_16, %get3A_19, %dot_general3A_20 {dimension_numbers = #tpu.dot_dimension_numbers<[1], [0], [0], [1], [0, 0, 1, 1], [], []>, transpose_lhs_hint = false} : vector<4000x128xbf16>, vector<128x128xbf16>, vector<4000x128xf32> -> vector<4000x128xf32>
    %get3A_22 = arith.constant 0 : index
    %get3A_23 = arith.constant 0 : index
    %get3A_24 = vector.load %arg6[%get3A_22, %get3A_23] : memref<1x128xf32, #tpu.memory_space<vmem>>, vector<1x128xf32>
    %add3A_25 = vector.broadcast %get3A_24 : vector<1x128xf32> to vector<4000x128xf32>
    %add3A_26 = arith.addf %dot_general3A_21, %add3A_25 : vector<4000x128xf32>
    %max3A_27 = arith.constant 0.000000e+00 : f32
    %max3A_28 = vector.broadcast %max3A_27 : f32 to vector<4000x128xf32>
    %max3A_29 = arith.maximumf %add3A_26, %max3A_28 : vector<4000x128xf32>
    %convert_element_type3A_30 = arith.truncf %max3A_29 : vector<4000x128xf32> to vector<4000x128xbf16>
    %get3A_31 = arith.constant 0 : index
    %get3A_32 = arith.constant 0 : index
    %get3A_33 = vector.load %arg7[%get3A_31, %get3A_32] : memref<128x128xbf16, #tpu.memory_space<vmem>>, vector<128x128xbf16>
    %dot_general3A_34 = arith.constant dense<0.000000e+00> : vector<4000x128xf32>
    %dot_general3A_35 = tpu.matmul %convert_element_type3A_30, %get3A_33, %dot_general3A_34 {dimension_numbers = #tpu.dot_dimension_numbers<[1], [0], [0], [1], [0, 0, 1, 1], [], []>, transpose_lhs_hint = false} : vector<4000x128xbf16>, vector<128x128xbf16>, vector<4000x128xf32> -> vector<4000x128xf32>
    %get3A_36 = arith.constant 0 : index
    %get3A_37 = arith.constant 0 : index
    %get3A_38 = vector.load %arg8[%get3A_36, %get3A_37] : memref<1x128xf32, #tpu.memory_space<vmem>>, vector<1x128xf32>
    %add3A_39 = vector.broadcast %get3A_38 : vector<1x128xf32> to vector<4000x128xf32>
    %add3A_40 = arith.addf %dot_general3A_35, %add3A_39 : vector<4000x128xf32>
    %max3A_41 = arith.constant 0.000000e+00 : f32
    %max3A_42 = vector.broadcast %max3A_41 : f32 to vector<4000x128xf32>
    %max3A_43 = arith.maximumf %add3A_40, %max3A_42 : vector<4000x128xf32>
    %convert_element_type3A_44 = arith.truncf %max3A_43 : vector<4000x128xf32> to vector<4000x128xbf16>
    %get3A_45 = arith.constant 0 : index
    %get3A_46 = arith.constant 0 : index
    %get3A_47 = vector.load %arg9[%get3A_45, %get3A_46] : memref<128x128xbf16, #tpu.memory_space<vmem>>, vector<128x128xbf16>
    %dot_general3A_48 = arith.constant dense<0.000000e+00> : vector<4000x128xf32>
    %dot_general3A_49 = tpu.matmul %convert_element_type3A_44, %get3A_47, %dot_general3A_48 {dimension_numbers = #tpu.dot_dimension_numbers<[1], [0], [0], [1], [0, 0, 1, 1], [], []>, transpose_lhs_hint = false} : vector<4000x128xbf16>, vector<128x128xbf16>, vector<4000x128xf32> -> vector<4000x128xf32>
    %get3A_50 = arith.constant 0 : index
    %get3A_51 = arith.constant 0 : index
    %get3A_52 = vector.load %arg10[%get3A_50, %get3A_51] : memref<1x128xf32, #tpu.memory_space<vmem>>, vector<1x128xf32>
    %add3A_53 = vector.broadcast %get3A_52 : vector<1x128xf32> to vector<4000x128xf32>
    %add3A_54 = arith.addf %dot_general3A_49, %add3A_53 : vector<4000x128xf32>
    %reduce_sum3A = arith.constant dense<0.000000e+00> : vector<4000xf32>
    %reduce_sum3A_55 = vector.multi_reduction <add>, %add3A_54, %reduce_sum3A [1] : vector<4000x128xf32> to vector<4000xf32>
    %broadcast_in_dim3A = vector.shape_cast %reduce_sum3A_55 : vector<4000xf32> to vector<4000x1xf32>
    %div3A = arith.constant 1.280000e+02 : f32
    %div3A_56 = vector.broadcast %div3A : f32 to vector<4000x1xf32>
    %div3A_57 = arith.divf %broadcast_in_dim3A, %div3A_56 : vector<4000x1xf32>
    %sub3A = vector.broadcast %div3A_57 : vector<4000x1xf32> to vector<4000x128xf32>
    %sub3A_58 = arith.subf %add3A_54, %sub3A : vector<4000x128xf32>
    %mul3A = arith.mulf %sub3A_58, %sub3A_58 : vector<4000x128xf32>
    %reduce_sum3A_59 = arith.constant dense<0.000000e+00> : vector<4000xf32>
    %reduce_sum3A_60 = vector.multi_reduction <add>, %mul3A, %reduce_sum3A_59 [1] : vector<4000x128xf32> to vector<4000xf32>
    %broadcast_in_dim3A_61 = vector.shape_cast %reduce_sum3A_60 : vector<4000xf32> to vector<4000x1xf32>
    %div3A_62 = arith.constant 1.280000e+02 : f32
    %div3A_63 = vector.broadcast %div3A_62 : f32 to vector<4000x1xf32>
    %div3A_64 = arith.divf %broadcast_in_dim3A_61, %div3A_63 : vector<4000x1xf32>
    %add3A_65 = arith.constant 9.99999974E-6 : f32
    %add3A_66 = vector.broadcast %add3A_65 : f32 to vector<4000x1xf32>
    %add3A_67 = arith.addf %div3A_64, %add3A_66 : vector<4000x1xf32>
    %rsqrt3A = math.rsqrt %add3A_67 : vector<4000x1xf32>
    %mul3A_68 = vector.broadcast %rsqrt3A : vector<4000x1xf32> to vector<4000x128xf32>
    %mul3A_69 = arith.mulf %sub3A_58, %mul3A_68 : vector<4000x128xf32>
    %get3A_70 = arith.constant 0 : index
    %get3A_71 = arith.constant 0 : index
    %get3A_72 = vector.load %arg11[%get3A_70, %get3A_71] : memref<1x128xf32, #tpu.memory_space<vmem>>, vector<1x128xf32>
    %mul3A_73 = vector.broadcast %get3A_72 : vector<1x128xf32> to vector<4000x128xf32>
    %mul3A_74 = arith.mulf %mul3A_69, %mul3A_73 : vector<4000x128xf32>
    %add3A_75 = arith.addf %get3A_1, %mul3A_74 : vector<4000x128xf32>
    %get3A_76 = arith.constant 0 : index
    %get3A_77 = arith.constant 0 : index
    %get3A_78 = vector.load %arg12[%get3A_76, %get3A_77] : memref<1x128xf32, #tpu.memory_space<vmem>>, vector<1x128xf32>
    %add3A_79 = vector.broadcast %get3A_78 : vector<1x128xf32> to vector<4000x128xf32>
    %add3A_80 = arith.addf %add3A_75, %add3A_79 : vector<4000x128xf32>
    %swap3A = arith.constant 0 : index
    %swap3A_81 = arith.constant 0 : index
    %swap3A_82 = vector.load %arg13[%swap3A, %swap3A_81] : memref<4000x128xf32, #tpu.memory_space<vmem>>, vector<4000x128xf32>
    tpu.vector_store %arg13[%swap3A, %swap3A_81], %add3A_80 {strides = array<i32>} : memref<4000x128xf32, #tpu.memory_space<vmem>>, vector<4000x128xf32>,
    return
  }
  func.func @transform_0(%arg0: i32) -> (i32, i32) {
    %c0_i32 = arith.constant 0 : i32
    %c0_i32_0 = arith.constant 0 : i32
    return %arg0, %c0_i32 : i32, i32
  }
  func.func @transform_1(%arg0: i32) -> (i32, i32) {
    %c0_i32 = arith.constant 0 : i32
    %c0_i32_0 = arith.constant 0 : i32
    return %arg0, %c0_i32 : i32, i32
  }
  func.func @transform_2(%arg0: i32) -> (i32, i32) {
    %c0_i32 = arith.constant 0 : i32
    %c0_i32_0 = arith.constant 0 : i32
    %c0_i32_1 = arith.constant 0 : i32
    return %c0_i32, %c0_i32_0 : i32, i32
  }
  func.func @transform_3(%arg0: i32) -> (i32, i32) {
    %c0_i32 = arith.constant 0 : i32
    %c0_i32_0 = arith.constant 0 : i32
    %c0_i32_1 = arith.constant 0 : i32
    return %c0_i32, %c0_i32_0 : i32, i32
  }
  func.func @transform_4(%arg0: i32) -> (i32, i32) {
    %c0_i32 = arith.constant 0 : i32
    %c0_i32_0 = arith.constant 0 : i32
    %c0_i32_1 = arith.constant 0 : i32
    return %c0_i32, %c0_i32_0 : i32, i32
  }
  func.func @transform_5(%arg0: i32) -> (i32, i32) {
    %c0_i32 = arith.constant 0 : i32
    %c0_i32_0 = arith.constant 0 : i32
    %c0_i32_1 = arith.constant 0 : i32
    return %c0_i32, %c0_i32_0 : i32, i32
  }
  func.func @transform_6(%arg0: i32) -> (i32, i32) {
    %c0_i32 = arith.constant 0 : i32
    %c0_i32_0 = arith.constant 0 : i32
    %c0_i32_1 = arith.constant 0 : i32
    return %c0_i32, %c0_i32_0 : i32, i32
  }
  func.func @transform_7(%arg0: i32) -> (i32, i32) {
    %c0_i32 = arith.constant 0 : i32
    %c0_i32_0 = arith.constant 0 : i32
    %c0_i32_1 = arith.constant 0 : i32
    return %c0_i32, %c0_i32_0 : i32, i32
  }
  func.func @transform_8(%arg0: i32) -> (i32, i32) {
    %c0_i32 = arith.constant 0 : i32
    %c0_i32_0 = arith.constant 0 : i32
    %c0_i32_1 = arith.constant 0 : i32
    return %c0_i32, %c0_i32_0 : i32, i32
  }
  func.func @transform_9(%arg0: i32) -> (i32, i32) {
    %c0_i32 = arith.constant 0 : i32
    %c0_i32_0 = arith.constant 0 : i32
    %c0_i32_1 = arith.constant 0 : i32
    return %c0_i32, %c0_i32_0 : i32, i32
  }
  func.func @transform_10(%arg0: i32) -> (i32, i32) {
    %c0_i32 = arith.constant 0 : i32
    %c0_i32_0 = arith.constant 0 : i32
    %c0_i32_1 = arith.constant 0 : i32
    return %c0_i32, %c0_i32_0 : i32, i32
  }
  func.func @transform_11(%arg0: i32) -> (i32, i32) {
    %c0_i32 = arith.constant 0 : i32
    %c0_i32_0 = arith.constant 0 : i32
    %c0_i32_1 = arith.constant 0 : i32
    return %c0_i32, %c0_i32_0 : i32, i32
  }
  func.func @transform_12(%arg0: i32) -> (i32, i32) {
    %c0_i32 = arith.constant 0 : i32
    %c0_i32_0 = arith.constant 0 : i32
    return %arg0, %c0_i32 : i32, i32
  }
}

module attributes {stable_mosaic.version = 14 : i64} {
  func.func @body(%arg0: i32, %arg1: memref<2000x128xf32, #tpu.memory_space<vmem>>, %arg2: memref<2x2000x128xf32, #tpu.memory_space<vmem>>, %arg3: memref<128x128xf32, #tpu.memory_space<vmem>>, %arg4: memref<128x128xf32, #tpu.memory_space<vmem>>, %arg5: memref<1x128xf32, #tpu.memory_space<vmem>>, %arg6: memref<128x128xf32, #tpu.memory_space<vmem>>, %arg7: memref<1x128xf32, #tpu.memory_space<vmem>>, %arg8: memref<128x128xf32, #tpu.memory_space<vmem>>, %arg9: memref<1x128xf32, #tpu.memory_space<vmem>>, %arg10: memref<128x128xf32, #tpu.memory_space<vmem>>, %arg11: memref<1x128xf32, #tpu.memory_space<vmem>>, %arg12: memref<1x128xf32, #tpu.memory_space<vmem>>, %arg13: memref<1x128xf32, #tpu.memory_space<vmem>>, %arg14: memref<2000x128xf32, #tpu.memory_space<vmem>>) attributes {dimension_semantics = [#tpu.dimension_semantics<arbitrary>], iteration_bounds = array<i64: 5>, scalar_prefetch = 0 : i64, scratch_operands = 0 : i64, tpu.core_type = #tpu.core_type<tc>, window_params = [{transform_indices = @transform_0, window_bounds = array<i64: 2000, 128>}, {transform_indices = @transform_1, window_bounds = array<i64: 2, 2000, 128>}, {pipeline_mode = #tpu.pipeline_mode<synchronous>, transform_indices = @transform_2, window_bounds = array<i64: 128, 128>}, {pipeline_mode = #tpu.pipeline_mode<synchronous>, transform_indices = @transform_3, window_bounds = array<i64: 128, 128>}, {pipeline_mode = #tpu.pipeline_mode<synchronous>, transform_indices = @transform_4, window_bounds = array<i64: 1, 128>}, {pipeline_mode = #tpu.pipeline_mode<synchronous>, transform_indices = @transform_5, window_bounds = array<i64: 128, 128>}, {pipeline_mode = #tpu.pipeline_mode<synchronous>, transform_indices = @transform_6, window_bounds = array<i64: 1, 128>}, {pipeline_mode = #tpu.pipeline_mode<synchronous>, transform_indices = @transform_7, window_bounds = array<i64: 128, 128>}, {pipeline_mode = #tpu.pipeline_mode<synchronous>, transform_indices = @transform_8, window_bounds = array<i64: 1, 128>}, {pipeline_mode = #tpu.pipeline_mode<synchronous>, transform_indices = @transform_9, window_bounds = array<i64: 128, 128>}, {pipeline_mode = #tpu.pipeline_mode<synchronous>, transform_indices = @transform_10, window_bounds = array<i64: 1, 128>}, {pipeline_mode = #tpu.pipeline_mode<synchronous>, transform_indices = @transform_11, window_bounds = array<i64: 1, 128>}, {pipeline_mode = #tpu.pipeline_mode<synchronous>, transform_indices = @transform_12, window_bounds = array<i64: 1, 128>}, {transform_indices = @transform_13, window_bounds = array<i64: 2000, 128>}]} {
    %get3A = arith.constant 0 : index
    %get3A_0 = arith.constant 0 : index
    %get3A_1 = vector.load %arg1[%get3A, %get3A_0] : memref<2000x128xf32, #tpu.memory_space<vmem>>, vector<2000x128xf32>
    %get3A_2 = arith.constant 0 : index
    %get3A_3 = arith.constant 0 : index
    %get3A_4 = arith.constant 0 : index
    %get3A_5 = vector.load %arg2[%get3A_2, %get3A_3, %get3A_4] : memref<2x2000x128xf32, #tpu.memory_space<vmem>>, vector<1x2000x128xf32>
    %get3A_6 = vector.shape_cast %get3A_5 : vector<1x2000x128xf32> to vector<2000x128xf32>
    %get3A_7 = arith.constant 1 : index
    %get3A_8 = arith.constant 0 : index
    %get3A_9 = arith.constant 0 : index
    %get3A_10 = vector.load %arg2[%get3A_7, %get3A_8, %get3A_9] : memref<2x2000x128xf32, #tpu.memory_space<vmem>>, vector<1x2000x128xf32>
    %get3A_11 = vector.shape_cast %get3A_10 : vector<1x2000x128xf32> to vector<2000x128xf32>
    %add3A = arith.addf %get3A_6, %get3A_11 : vector<2000x128xf32>
    %get3A_12 = arith.constant 0 : index
    %get3A_13 = arith.constant 0 : index
    %get3A_14 = vector.load %arg3[%get3A_12, %get3A_13] : memref<128x128xf32, #tpu.memory_space<vmem>>, vector<128x128xf32>
    %dot_general3A = arith.constant dense<0.000000e+00> : vector<2000x128xf32>
    %dot_general3A_15 = tpu.matmul %get3A_1, %get3A_14, %dot_general3A {dimension_numbers = #tpu.dot_dimension_numbers<[1], [0], [0], [1], [0, 0, 1, 1], [], []>, transpose_lhs_hint = false} : vector<2000x128xf32>, vector<128x128xf32>, vector<2000x128xf32> -> vector<2000x128xf32>
    %get3A_16 = arith.constant 0 : index
    %get3A_17 = arith.constant 0 : index
    %get3A_18 = vector.load %arg4[%get3A_16, %get3A_17] : memref<128x128xf32, #tpu.memory_space<vmem>>, vector<128x128xf32>
    %dot_general3A_19 = arith.constant dense<0.000000e+00> : vector<2000x128xf32>
    %dot_general3A_20 = tpu.matmul %add3A, %get3A_18, %dot_general3A_19 {dimension_numbers = #tpu.dot_dimension_numbers<[1], [0], [0], [1], [0, 0, 1, 1], [], []>, transpose_lhs_hint = false} : vector<2000x128xf32>, vector<128x128xf32>, vector<2000x128xf32> -> vector<2000x128xf32>
    %add3A_21 = arith.addf %dot_general3A_15, %dot_general3A_20 : vector<2000x128xf32>
    %get3A_22 = arith.constant 0 : index
    %get3A_23 = arith.constant 0 : index
    %get3A_24 = vector.load %arg5[%get3A_22, %get3A_23] : memref<1x128xf32, #tpu.memory_space<vmem>>, vector<1x128xf32>
    %add3A_25 = vector.broadcast %get3A_24 : vector<1x128xf32> to vector<2000x128xf32>
    %add3A_26 = arith.addf %add3A_21, %add3A_25 : vector<2000x128xf32>
    %max3A = arith.constant 0.000000e+00 : f32
    %max3A_27 = vector.broadcast %max3A : f32 to vector<2000x128xf32>
    %max3A_28 = arith.maximumf %add3A_26, %max3A_27 : vector<2000x128xf32>
    %get3A_29 = arith.constant 0 : index
    %get3A_30 = arith.constant 0 : index
    %get3A_31 = vector.load %arg6[%get3A_29, %get3A_30] : memref<128x128xf32, #tpu.memory_space<vmem>>, vector<128x128xf32>
    %dot_general3A_32 = arith.constant dense<0.000000e+00> : vector<2000x128xf32>
    %dot_general3A_33 = tpu.matmul %max3A_28, %get3A_31, %dot_general3A_32 {dimension_numbers = #tpu.dot_dimension_numbers<[1], [0], [0], [1], [0, 0, 1, 1], [], []>, transpose_lhs_hint = false} : vector<2000x128xf32>, vector<128x128xf32>, vector<2000x128xf32> -> vector<2000x128xf32>
    %get3A_34 = arith.constant 0 : index
    %get3A_35 = arith.constant 0 : index
    %get3A_36 = vector.load %arg7[%get3A_34, %get3A_35] : memref<1x128xf32, #tpu.memory_space<vmem>>, vector<1x128xf32>
    %add3A_37 = vector.broadcast %get3A_36 : vector<1x128xf32> to vector<2000x128xf32>
    %add3A_38 = arith.addf %dot_general3A_33, %add3A_37 : vector<2000x128xf32>
    %max3A_39 = arith.constant 0.000000e+00 : f32
    %max3A_40 = vector.broadcast %max3A_39 : f32 to vector<2000x128xf32>
    %max3A_41 = arith.maximumf %add3A_38, %max3A_40 : vector<2000x128xf32>
    %get3A_42 = arith.constant 0 : index
    %get3A_43 = arith.constant 0 : index
    %get3A_44 = vector.load %arg8[%get3A_42, %get3A_43] : memref<128x128xf32, #tpu.memory_space<vmem>>, vector<128x128xf32>
    %dot_general3A_45 = arith.constant dense<0.000000e+00> : vector<2000x128xf32>
    %dot_general3A_46 = tpu.matmul %max3A_41, %get3A_44, %dot_general3A_45 {dimension_numbers = #tpu.dot_dimension_numbers<[1], [0], [0], [1], [0, 0, 1, 1], [], []>, transpose_lhs_hint = false} : vector<2000x128xf32>, vector<128x128xf32>, vector<2000x128xf32> -> vector<2000x128xf32>
    %get3A_47 = arith.constant 0 : index
    %get3A_48 = arith.constant 0 : index
    %get3A_49 = vector.load %arg9[%get3A_47, %get3A_48] : memref<1x128xf32, #tpu.memory_space<vmem>>, vector<1x128xf32>
    %add3A_50 = vector.broadcast %get3A_49 : vector<1x128xf32> to vector<2000x128xf32>
    %add3A_51 = arith.addf %dot_general3A_46, %add3A_50 : vector<2000x128xf32>
    %max3A_52 = arith.constant 0.000000e+00 : f32
    %max3A_53 = vector.broadcast %max3A_52 : f32 to vector<2000x128xf32>
    %max3A_54 = arith.maximumf %add3A_51, %max3A_53 : vector<2000x128xf32>
    %get3A_55 = arith.constant 0 : index
    %get3A_56 = arith.constant 0 : index
    %get3A_57 = vector.load %arg10[%get3A_55, %get3A_56] : memref<128x128xf32, #tpu.memory_space<vmem>>, vector<128x128xf32>
    %dot_general3A_58 = arith.constant dense<0.000000e+00> : vector<2000x128xf32>
    %dot_general3A_59 = tpu.matmul %max3A_54, %get3A_57, %dot_general3A_58 {dimension_numbers = #tpu.dot_dimension_numbers<[1], [0], [0], [1], [0, 0, 1, 1], [], []>, transpose_lhs_hint = false} : vector<2000x128xf32>, vector<128x128xf32>, vector<2000x128xf32> -> vector<2000x128xf32>
    %get3A_60 = arith.constant 0 : index
    %get3A_61 = arith.constant 0 : index
    %get3A_62 = vector.load %arg11[%get3A_60, %get3A_61] : memref<1x128xf32, #tpu.memory_space<vmem>>, vector<1x128xf32>
    %add3A_63 = vector.broadcast %get3A_62 : vector<1x128xf32> to vector<2000x128xf32>
    %add3A_64 = arith.addf %dot_general3A_59, %add3A_63 : vector<2000x128xf32>
    %reduce_sum3A = arith.constant dense<0.000000e+00> : vector<2000xf32>
    %reduce_sum3A_65 = vector.multi_reduction <add>, %add3A_64, %reduce_sum3A [1] : vector<2000x128xf32> to vector<2000xf32>
    %broadcast_in_dim3A = vector.shape_cast %reduce_sum3A_65 : vector<2000xf32> to vector<2000x1xf32>
    %div3A = arith.constant 1.280000e+02 : f32
    %div3A_66 = vector.broadcast %div3A : f32 to vector<2000x1xf32>
    %div3A_67 = arith.divf %broadcast_in_dim3A, %div3A_66 : vector<2000x1xf32>
    %sub3A = vector.broadcast %div3A_67 : vector<2000x1xf32> to vector<2000x128xf32>
    %sub3A_68 = arith.subf %add3A_64, %sub3A : vector<2000x128xf32>
    %mul3A = arith.mulf %sub3A_68, %sub3A_68 : vector<2000x128xf32>
    %reduce_sum3A_69 = arith.constant dense<0.000000e+00> : vector<2000xf32>
    %reduce_sum3A_70 = vector.multi_reduction <add>, %mul3A, %reduce_sum3A_69 [1] : vector<2000x128xf32> to vector<2000xf32>
    %broadcast_in_dim3A_71 = vector.shape_cast %reduce_sum3A_70 : vector<2000xf32> to vector<2000x1xf32>
    %div3A_72 = arith.constant 1.280000e+02 : f32
    %div3A_73 = vector.broadcast %div3A_72 : f32 to vector<2000x1xf32>
    %div3A_74 = arith.divf %broadcast_in_dim3A_71, %div3A_73 : vector<2000x1xf32>
    %add3A_75 = arith.constant 9.99999974E-6 : f32
    %add3A_76 = vector.broadcast %add3A_75 : f32 to vector<2000x1xf32>
    %add3A_77 = arith.addf %div3A_74, %add3A_76 : vector<2000x1xf32>
    %rsqrt3A = math.rsqrt %add3A_77 : vector<2000x1xf32>
    %mul3A_78 = vector.broadcast %rsqrt3A : vector<2000x1xf32> to vector<2000x128xf32>
    %mul3A_79 = arith.mulf %sub3A_68, %mul3A_78 : vector<2000x128xf32>
    %get3A_80 = arith.constant 0 : index
    %get3A_81 = arith.constant 0 : index
    %get3A_82 = vector.load %arg12[%get3A_80, %get3A_81] : memref<1x128xf32, #tpu.memory_space<vmem>>, vector<1x128xf32>
    %mul3A_83 = vector.broadcast %get3A_82 : vector<1x128xf32> to vector<2000x128xf32>
    %mul3A_84 = arith.mulf %mul3A_79, %mul3A_83 : vector<2000x128xf32>
    %add3A_85 = arith.addf %get3A_1, %mul3A_84 : vector<2000x128xf32>
    %get3A_86 = arith.constant 0 : index
    %get3A_87 = arith.constant 0 : index
    %get3A_88 = vector.load %arg13[%get3A_86, %get3A_87] : memref<1x128xf32, #tpu.memory_space<vmem>>, vector<1x128xf32>
    %add3A_89 = vector.broadcast %get3A_88 : vector<1x128xf32> to vector<2000x128xf32>
    %add3A_90 = arith.addf %add3A_85, %add3A_89 : vector<2000x128xf32>
    %swap3A = arith.constant 0 : index
    %swap3A_91 = arith.constant 0 : index
    %swap3A_92 = vector.load %arg14[%swap3A, %swap3A_91] : memref<2000x128xf32, #tpu.memory_space<vmem>>, vector<2000x128xf32>
    tpu.vector_store %arg14[%swap3A, %swap3A_91], %add3A_90 {strides = array<i32>} : memref<2000x128xf32, #tpu.memory_space<vmem>>, vector<2000x128xf32>,
    return
  }
  func.func @transform_0(%arg0: i32) -> (i32, i32) {
    %c0_i32 = arith.constant 0 : i32
    %c0_i32_0 = arith.constant 0 : i32
    return %arg0, %c0_i32 : i32, i32
  }
  func.func @transform_1(%arg0: i32) -> (i32, i32, i32) {
    %c0_i32 = arith.constant 0 : i32
    %c0_i32_0 = arith.constant 0 : i32
    %c0_i32_1 = arith.constant 0 : i32
    return %c0_i32, %arg0, %c0_i32_0 : i32, i32, i32
  }
  func.func @transform_2(%arg0: i32) -> (i32, i32) {
    %c0_i32 = arith.constant 0 : i32
    %c0_i32_0 = arith.constant 0 : i32
    %c0_i32_1 = arith.constant 0 : i32
    return %c0_i32, %c0_i32_0 : i32, i32
  }
  func.func @transform_3(%arg0: i32) -> (i32, i32) {
    %c0_i32 = arith.constant 0 : i32
    %c0_i32_0 = arith.constant 0 : i32
    %c0_i32_1 = arith.constant 0 : i32
    return %c0_i32, %c0_i32_0 : i32, i32
  }
  func.func @transform_4(%arg0: i32) -> (i32, i32) {
    %c0_i32 = arith.constant 0 : i32
    %c0_i32_0 = arith.constant 0 : i32
    %c0_i32_1 = arith.constant 0 : i32
    return %c0_i32, %c0_i32_0 : i32, i32
  }
  func.func @transform_5(%arg0: i32) -> (i32, i32) {
    %c0_i32 = arith.constant 0 : i32
    %c0_i32_0 = arith.constant 0 : i32
    %c0_i32_1 = arith.constant 0 : i32
    return %c0_i32, %c0_i32_0 : i32, i32
  }
  func.func @transform_6(%arg0: i32) -> (i32, i32) {
    %c0_i32 = arith.constant 0 : i32
    %c0_i32_0 = arith.constant 0 : i32
    %c0_i32_1 = arith.constant 0 : i32
    return %c0_i32, %c0_i32_0 : i32, i32
  }
  func.func @transform_7(%arg0: i32) -> (i32, i32) {
    %c0_i32 = arith.constant 0 : i32
    %c0_i32_0 = arith.constant 0 : i32
    %c0_i32_1 = arith.constant 0 : i32
    return %c0_i32, %c0_i32_0 : i32, i32
  }
  func.func @transform_8(%arg0: i32) -> (i32, i32) {
    %c0_i32 = arith.constant 0 : i32
    %c0_i32_0 = arith.constant 0 : i32
    %c0_i32_1 = arith.constant 0 : i32
    return %c0_i32, %c0_i32_0 : i32, i32
  }
  func.func @transform_9(%arg0: i32) -> (i32, i32) {
    %c0_i32 = arith.constant 0 : i32
    %c0_i32_0 = arith.constant 0 : i32
    %c0_i32_1 = arith.constant 0 : i32
    return %c0_i32, %c0_i32_0 : i32, i32
  }
  func.func @transform_10(%arg0: i32) -> (i32, i32) {
    %c0_i32 = arith.constant 0 : i32
    %c0_i32_0 = arith.constant 0 : i32
    %c0_i32_1 = arith.constant 0 : i32
    return %c0_i32, %c0_i32_0 : i32, i32
  }
  func.func @transform_11(%arg0: i32) -> (i32, i32) {
    %c0_i32 = arith.constant 0 : i32
    %c0_i32_0 = arith.constant 0 : i32
    %c0_i32_1 = arith.constant 0 : i32
    return %c0_i32, %c0_i32_0 : i32, i32
  }
  func.func @transform_12(%arg0: i32) -> (i32, i32) {
    %c0_i32 = arith.constant 0 : i32
    %c0_i32_0 = arith.constant 0 : i32
    %c0_i32_1 = arith.constant 0 : i32
    return %c0_i32, %c0_i32_0 : i32, i32
  }
  func.func @transform_13(%arg0: i32) -> (i32, i32) {
    %c0_i32 = arith.constant 0 : i32
    %c0_i32_0 = arith.constant 0 : i32
    return %arg0, %c0_i32 : i32, i32
  }
}

</mosaic_0001>

<sc_bundles>
// kernel: kernel.10.cloned.1.call-start
scs
__scs_entry_jumppad:
0x0: {  	(pc) =	sbr.rel $0x88, $3  }
0x1: {  	(tag) =	ssettag $0x0;
	lr =	simm.s32 $0x1  }
0x2: {  	[smem:$0x3F8A] =	sst lr;
	_ =	strace $0xD0000000  }
0x3: {  	_ = 	snop  }
0x4: {  	_ = 	snop  }
0x5: {  	_ = 	snop  }
0x6: {  	_ = 	snop  }
0x7: {  	_ = 	snop  }
__scs_overlays_trampoline_lowered:
0x8: {  	[smem:$0x3F99] =	sst s0  }
0x9: {  	[smem:$0x3F9A] =	sst s1  }
0xa: {  	[smem:$0x3F9B] =	sst s2  }
0xb: {  	[smem:$0x3F9C] =	sst s3  }
0xc: {  	[smem:$0x3F9D] =	sst s4  }
0xd: {  	[smem:$0x3F9E] =	sst s5  }
0xe: {  	[smem:$0x3F9F] =	sst s6  }
0xf: {  	[smem:$0x3FA0] =	sst s7  }
0x10: {  	[smem:$0x3FA1] =	sst s8  }
0x11: {  	[smem:$0x3FA2] =	sst s9;
	s0 =	simm.s32 @!p0 $0x0  }
0x12: {  	s1 =	sld [smem:$0x3F88];
	s0 =	simm.s32 @p0 $0x1  }
0x13: {  	[smem:$0x3FA3] =	sst s0;
	s0 =	simm.s32 @!p1 $0x0  }
0x14: {  	s2 =	sld [smem:$0x3F87];
	s0 =	simm.s32 @p1 $0x1  }
0x15: {  	[smem:$0x3FA4] =	sst s0;
	s0 =	simm.s32 @!p2 $0x0  }
0x16: {  	s3 =	sld [smem:$0x3FDB];
	s0 =	simm.s32 @p2 $0x1  }
0x17: {  	s4 =	simm.s32 $0x1BF5;
	[smem:$0x3FA6] =	sst s0  }
0x18: {  	s0 =	sld [smem:$0x3F89];
	_ =	swait.ge [sflag:s4], $0x0  }
0x19: {  	s7 =	sld [smem:$0x3F8A]  }
0x1a: {  	s8 =	sadd.s32 $0xFFFFE003, lr  }
0x1b: {  	s9 =	sadd.s32 $0xFFFFFEF7, lr;
	s5 =	simm.s32 $0xFFFFFFFF;
	p2 =	slt.u32 s8, $0xFFFFF086  }
0x1c: {  	p1 =	slt.u32 s9, $0xF7A;
	s5 =	simm.s32 @!p2 $0x0  }
0x1d: {  	s5 =	simm.s32 @p1 $0x1;
	p0 =	seq.s32 s7, s2  }
0x1e: {  	s7 =	smul.u32 @!p0 $0xF7A, s2;
	p2 =	seq.s32 @!p0 s5, $0x0  }
0x1f: {  	s9 =	smul.u32 $0xF7A, s1;
	s8 =	simm.s32 @!p0 $0x1BF5;
	p2 =	por !p2, p0  }
0x20: {  	[sflag:s8] =	ssyncset.s32 @!p0 $0xFFFFF086;
	s6 =	sadd.s32 @!p0 s3, s7;
	s7 =	simm.s32 @!p0 $0x108  }
0x21: {  	s3 =	sadd.s32 s3, s9;
	s6 =	sadd.s32 @!p0 $0x88, s6;
	s7 =	simm.s32 @p2 $0x1082  }
0x22: {  	[simem:s7], [sflag:s8] =	dma.local @!p0 [hbm:s6], $0xF7A  }
0x23: {  	s9 =	sor.u32 $0xD0000000, s2;
	s6 =	simm.s32 $0x108;
	_ =	swait.ge @!p0 [sflag:s8], $0x0  }
0x24: {  	s3 =	sadd.s32 $0x88, s3;
	s6 =	simm.s32 @!p1 $0x1082;
	[sflag:s4] =	ssyncset.s32 $0xFFFFF086  }
0x25: {  	[simem:s6], [sflag:s4] =	dma.local [hbm:s3], $0xF7A  }
0x26: {  	[smem:$0x3F8A] =	sst s1;
	(tag) =	ssettag s2;
	_ =	strace s9  }
0x27: {  	s1 =	sld [smem:$0x3F9A]  }
0x28: {  	s2 =	sld [smem:$0x3F9B]  }
0x29: {  	s4 =	sld [smem:$0x3F9D]  }
0x2a: {  	p0 =	seq.s32 s5, $0x0;
	s5 =	sld [smem:$0x3F9E]  }
0x2b: {  	s6 =	sld [smem:$0x3F9F]  }
0x2c: {  	s7 =	sld [smem:$0x3FA0]  }
0x2d: {  	s3 =	simm.s32 $0x108;
	s8 =	sld [smem:$0x3FA1]  }
0x2e: {  	s3 =	simm.s32 @!p0 $0x1082;
	s9 =	sld [smem:$0x3FA2]  }
0x2f: {  	lr =	sadd.s32 s0, s3;
	s0 =	sld [smem:$0x3F99]  }
0x30: {  	s3 =	sld [smem:$0x3F9C]  }
0x31: {  	[smem:$0x3FA5] =	sst s10  }
0x32: {  	s10 =	sld [smem:$0x3FA3];
	_ =	sdelay $0x3  }
0x33: {  	p0 =	seq.s32 s10, $0x1;
	s10 =	sld [smem:$0x3FA5];
	_ =	sdelay $0x3  }
0x34: {  	[smem:$0x3FA5] =	sst s10  }
0x35: {  	s10 =	sld [smem:$0x3FA4];
	_ =	sdelay $0x3  }
0x36: {  	p1 =	seq.s32 s10, $0x1;
	s10 =	sld [smem:$0x3FA5];
	_ =	sdelay $0x3  }
0x37: {  	[smem:$0x3FA5] =	sst s10  }
0x38: {  	s10 =	sld [smem:$0x3FA6]  }
0x39: {  	_ = 	snop;
	(pc) =	sbr.ind lr, $3  }
0x3a: {  	_ = 	snop  }
0x3b: {  	_ = 	snop  }
0x3c: {  	p2 =	seq.s32 s10, $0x1;
	s10 =	sld [smem:$0x3FA5]  }
0x3d: {  	_ =	shalt  }
0x3e: {  	_ =	shalt  }
0x3f: {  	_ =	shalt  }
0x40: {  	_ =	shalt  }
0x41: {  	_ =	shalt  }
0x42: {  	_ =	shalt  }
0x43: {  	_ =	shalt  }
0x44: {  	_ =	shalt  }
0x45: {  	_ =	shalt  }
0x46: {  	_ =	shalt  }
0x47: {  	_ =	shalt  }
0x48: {  	_ =	shalt  }
0x49: {  	_ =	shalt  }
0x4a: {  	_ =	shalt  }
0x4b: {  	_ =	shalt  }
0x4c: {  	_ =	shalt  }
0x4d: {  	_ =	shalt  }
0x4e: {  	_ =	shalt  }
0x4f: {  	_ =	shalt  }
0x50: {  	_ =	shalt  }
0x51: {  	_ =	shalt  }
0x52: {  	_ =	shalt  }
0x53: {  	_ =	shalt  }
0x54: {  	_ =	shalt  }
0x55: {  	_ =	shalt  }
0x56: {  	_ =	shalt  }
0x57: {  	_ =	shalt  }
0x58: {  	_ =	shalt  }
0x59: {  	_ =	shalt  }
0x5a: {  	_ =	shalt  }
0x5b: {  	_ =	shalt  }
0x5c: {  	_ =	shalt  }
0x5d: {  	_ =	shalt  }
0x5e: {  	_ =	shalt  }
0x5f: {  	_ =	shalt  }
0x60: {  	_ =	shalt  }
0x61: {  	_ =	shalt  }
0x62: {  	_ =	shalt  }
0x63: {  	_ =	shalt  }
0x64: {  	_ =	shalt  }
0x65: {  	_ =	shalt  }
0x66: {  	_ =	shalt  }
0x67: {  	_ =	shalt  }
0x68: {  	_ =	shalt  }
0x69: {  	_ =	shalt  }
0x6a: {  	_ =	shalt  }
0x6b: {  	_ =	shalt  }
0x6c: {  	_ =	shalt  }
0x6d: {  	_ =	shalt  }
0x6e: {  	_ =	shalt  }
0x6f: {  	_ =	shalt  }
0x70: {  	_ =	shalt  }
0x71: {  	_ =	shalt  }
0x72: {  	_ =	shalt  }
0x73: {  	_ =	shalt  }
0x74: {  	_ =	shalt  }
0x75: {  	_ =	shalt  }
0x76: {  	_ =	shalt  }
0x77: {  	_ =	shalt  }
0x78: {  	_ =	shalt  }
0x79: {  	_ =	shalt  }
0x7a: {  	_ =	shalt  }
0x7b: {  	_ =	shalt  }
0x7c: {  	_ =	shalt  }
0x7d: {  	_ =	shalt  }
0x7e: {  	_ =	shalt  }
0x7f: {  	_ =	shalt  }
0x80: {  	_ =	shalt  }
0x81: {  	_ =	shalt  }
0x82: {  	_ =	shalt  }
0x83: {  	_ =	shalt  }
0x84: {  	_ =	shalt  }
0x85: {  	_ =	shalt  }
0x86: {  	_ =	shalt  }
0x87: {  	_ =	shalt  }
.Lfunc_end0:
.L_simem_size_0:
called_computation.1_lowered:
.L_overlay_start_0:
0x88: {  	s2 =	sld [smem:$0x3FD9]  }
0x89: {  	s3 =	sld [smem:$0x3FFE];
	_ =	sdelay $0x1  }
0x8a: {  	s1 =	srdreg.scid  }
0x8b: {  	s0 =	sand.u32 $0x1, s1  }
0x8c: {  	s14 =	sshll.u32 s0, $0xA;
	s2 =	sadd.s32 s3, s2  }
0x8d: {  	s2 =	sadd.s32 s2, s14  }
0x8e: {  	[smem:$0x3FB1] =	sst s2  }
0x8f: {  	_ = 	snop  }
0x90: {  	s2 =	sld [smem:$0x3FD0];
	_ =	sdelay $0x2  }
0x91: {  	s15 =	simm.s32 $0xA;
	s4 =	simm.s32 $0x10  }
0x92: {  	[smem:s4], [sflag:s15] =	dma.local [hbm:s2], $0x1  }
0x93: {  	_ =	swait.eq [sflag:s15], $0x1  }
0x94: {  	[sflag:s15] =	ssyncset.done $0x0  }
0x95: {  	s16 =	sld [smem:$0x10];
	[sflag:s15] =	ssyncadd.s32 $0xFFFFFFFF  }
0x96: {  	s17 =	sld [smem:$0x11];
	(tm) =	ssettm $0x1  }
0x97: {  	s18 =	sld [smem:$0x3FFB];
	_ =	sdelay $0x3  }
0x98: {  	_ =	strace s18  }
0x99: {  	s4 =	sld [smem:$0x3FFC];
	_ =	sdelay $0x3  }
0x9a: {  	_ =	strace s4  }
0x9b: {  	s4 =	sld [smem:$0x3FFD];
	_ =	sdelay $0x3  }
0x9c: {  	_ =	strace s4  }
0x9d: {  	_ =	strace $0x8FFFFFFF  }
0x9e: {  	s19 =	sld [smem:$0x3FDB];
	_ =	sdelay $0x1  }
0x9f: {  	s5 =	simm.s32 $_scs_section_size  }
0xa0: {  	s6 =	simm.s32 $_size__tile_overlayer_lowered;
	s7 =	simm.s32 $_tile_overlayer_lowered  }
0xa1: {  	s22 =	simm.s32 $0x1BFF;
	s21 =	sshll.u32 s7, $0x1;
	s4 =	sadd.s32 s5, s19  }
0xa2: {  	s8 =	simm.s32 $0x0;
	s20 =	sshll.u32 s6, $0x1;
	s6 =	sadd.s32 s21, s4  }
0xa3: {  	[timem:s8], [sflag:s22] =	dma.local [hbm:s6], s20  }
0xa4: {  	_ =	swait.ge [sflag:s22], s20  }
0xa5: {  	s5 =	ssub.s32 $0x0, s20;
	[sflag:s22] =	ssyncset.done $0x0  }
0xa6: {  	[sflag:s22] =	ssyncadd.s32 s5;
	_ =	sdelay $0x1  }
0xa7: {  	s23 =	simm.s32 $0x1B8B  }
0xa8: {  	_ =	swait.ge [sflag:s23], $0x1  }
0xa9: {  	[sflag:s23] =	ssyncset.done $0x0  }
0xaa: {  	s25 =	simm.s32 $0x1B8E;
	s24 =	sld [smem:$0x3FFE];
	[sflag:s23] =	ssyncadd.s32 $0xFFFFFFFF  }
0xab: {  	s26 =	simm.s32 $execute0_lowered;
	[smem:$0x3FD2] =	sst s25  }
0xac: {  	s6 =	sshll.u32 s26, $0x1;
	_ =	strace $0x80000049;
	[dreg:$0x1] =	wrdreg $0xFFFFFFFF  }
0xad: {  	s28 =	simm.s32 $_size_execute0_lowered;
	s4 =	sadd.s32 s4, s6;
	[dreg:$0x0] =	wrdreg $0x0  }
0xae: {  	s6 =	sshll.u32 s28, $0x1;
	[dreg:$0x2] =	wrdreg s4  }
0xaf: {  	[dreg:$0x3] =	wrdreg s6  }
0xb0: {  	[dreg:$0x4] =	wrdreg $0xC0  }
0xb1: {  	_ =	task [dreg:s8], $0x5FFFF  }
0xb2: {  	[dreg:$0x1] =	wrdreg $0xFFFFFFFF  }
0xb3: {  	[dreg:$0x0] =	wrdreg $0x60  }
0xb4: {  	[dreg:$0x2] =	wrdreg s17  }
0xb5: {  	[dreg:$0x3] =	wrdreg s24  }
0xb6: {  	[dreg:$0x4] =	wrdreg s16  }
0xb7: {  	[dreg:$0x5] =	wrdreg $0x89800  }
0xb8: {  	[dreg:$0x6] =	wrdreg $0x9  }
0xb9: {  	_ =	task.clear_ibuf [dreg:s8], $0x7FFFF;
	_ =	strace $0x90000049  }
0xba: {  	s29 =	simm.s32 $0x9;
	_ =	strace $0x8000004B  }
0xbb: {  	_ =	swait.ge [sflag:s29], $0x1  }
0xbc: {  	[sflag:s29] =	ssyncadd.s32 $0xFFFFFFFF  }
0xbd: {  	_ =	strace $0x9000004B  }
0xbe: {  	_ =	sfence  }
0xbf: {  	s30 =	sld [smem:$0x0];
	_ =	sdelay $0x2  }
0xc0: {  	s31 =	sshll.u32 s1, $0xD;
	s1 =	sshrl.u32 s1, $0x2  }
0xc1: {  	s3 =	sand.u32 $0x4000, s31;
	s1 =	sadd.s32 s1, s30  }
0xc2: {  	s0 =	sor.u32 s3, s0;
	s1 =	sshll.u32 s1, $0x11  }
0xc3: {  	s0 =	sor.u32 s1, s0  }
0xc4: {  	s0 =	sadd.s32 $0x8F2B, s0  }
0xc5: {  	[sflag:s0] =	ssyncadd.remote.s32 $0x1  }
0xc6: {  	_ =	sfence.sel $0xFFFF  }
0xc7: {  	[dreg:$0x0] =	wrdreg $0xFFFFFFFF;
	(pc) =	sbr.abs _section_cstart, $3  }
0xc8: {  	[dreg:$0x1] =	wrdreg $0xFFFFFFFF  }
0xc9: {  	_ =	task.clear_ibuf [dreg:s8], $0x2FFFF;
	_ =	strace $0x9FFFFFFF  }
0xca: {  	(tm) =	ssettm $0x7FFFFFFF  }
0xcb: {  	_ =	shalt  }
tec
execute0_lowered:
.L_overlay_start_1:
0x0: {  	(tag) =	ssettag $0x1  }
0x1: {  	s0 =	rddreg [dreg:$0x0]  }
0x2: {  	s4 =	rddreg [dreg:$0x1]  }
0x3: {  	s5 =	rddreg [dreg:$0x2]  }
0x4: {  	s1 =	rddreg [dreg:$0x3];
	s3 =	srdreg.scid  }
0x5: {  	s2 =	simm.s32 $0x0;
	s8 =	stileid.u32;
	s28 =	simm.s32 $0x4  }
0x6: {  	s29 =	simm.s32 $0x3;
	s30 =	simm.s32 $0x8100;
	s31 =	simm.s32 $0x8180  }
0x7: {  	s7 =	sand.u32 $0x1, s3;
	[smem:$0x7FF] =	sst s2;
	s10 =	smul.u32 $0x4E000, s8  }
0x8: {  	s3 =	sadd.s32 $0xD400, s4;
	s4 =	sadd.s32 $0x17200, s4;
	s13 =	smul.u32 $0x2700, s8  }
0x9: {  	s22 =	sshll.u32 s8, $0x6;
	s23 =	sadd.s32 $0x138000, s1;
	p0 =	sne.s32 s8, $0x0  }
0xa: {  	s6 =	ssub.s32 $0x2, s7;
	_ =	strace $0x8000004A;
	s17 =	smul.u32 $0x27100, s7  }
0xb: {  	s21 =	sshll.u32 s7, $0x4;
	[dreg:$0x7] =	wrdreg s23;
	s14 =	smul.u32 $0x138800, s7  }
0xc: {  	s9 =	sshrl.u32 s6, $0x1;
	s20 =	sshrl.u32 s10, $0x2;
	s10 =	sor.u32 s8, s21  }
0xd: {  	s11 =	sadd.s32 s5, s13;
	s5 =	sadd.s32 $0x27000, s5;
	s9 =	ssub.s32 s6, s9  }
0xe: {  	s6 =	sadd.s32 s20, s1;
	[dreg:$0x6] =	wrdreg s11;
	s15 =	smul.u32 $0x2710, s10  }
0xf: {  	[dreg:$0x8] =	wrdreg s5;
	s24 =	smul.u32 $0x27100, s10;
	s18 =	sadd.s32 s13, s17  }
0x10: {  	s19 =	sshrl.u32 s14, $0x3;
	s20 =	smul.u32 $0x271000, s7;
	[dreg:$0x5] =	wrdreg s6  }
0x11: {  	s6 =	sor.u32 $0x1C05, s22;
	s13 =	sadd.s32 s4, s18;
	s4 =	sadd.s32 s4, s19  }
0x12: {  	s22 =	smul.u32 $0x2710, s8;
	s25 =	sshrl.u32 s15, $0x3;
	s12 =	sadd.s32 $0x2700, s15  }
0x13: {  	s5 =	sadd.s32 s0, s24;
	s14 =	sadd.s32 $0x27000, s4;
	s21 =	sadd.s32 $0x2680, s15  }
0x14: {  	s15 =	smax.u32 s9, $0x1;
	s24 =	smul.u32 $0x27100, s8;
	s10 =	sadd.s32 s3, s25  }
0x15: {  	s26 =	sshrl.u32 s12, $0x3;
	[dreg:$0xa] =	wrdreg s5;
	s16 =	sshll.u32 s12, $0x4  }
0x16: {  	s23 =	sshrl.u32 s21, $0x3;
	s7 =	sadd.s32 s22, s17;
	s4 =	sshll.u32 s21, $0x4  }
0x17: {  	s21 =	simm.s32 $0x5;
	s22 =	simm.s32 $0x100;
	[dreg:$0x9] =	wrdreg s10  }
0x18: {  	s11 =	sadd.s32 s3, s26;
	s5 =	sadd.s32 s0, s16;
	s16 =	sadd.s32 s3, s23  }
0x19: {  	s25 =	sadd.s32 $0x80, s7;
	s17 =	sadd.s32 s0, s4;
	[dreg:$0xb] =	wrdreg s11  }
0x1a: {  	s19 =	sadd.s32 $0x100, s7;
	s23 =	simm.s32 $0x2;
	[dreg:$0xc] =	wrdreg s5  }
0x1b: {  	s5 =	sadd.s32 s20, s0;
	s26 =	sshrl.u32 s25, $0x3;
	s25 =	simm.s32 $0x1  }
0x1c: {  	s0 =	simm.s32 $0x0;
	s5 =	sadd.s32 s24, s5;
	s20 =	sadd.s32 s26, s3  }
0x1d: {  	s24 =	simm.s32 $0x80;
	s26 =	simm.s32 $0x4100;
	s18 =	sadd.s32 $0x1000, s5  }
.LBB2_1:
0x1e: {  	s4 =	rddreg [dreg:$0x5]  }
0x1f: {  	s5 =	rddreg [dreg:$0x6];
	s4 =	sshrl.u32 s4, $0x3  }
0x20: {  	[spmem:s4], [sflag:s6] =	dma.local [hbm:s5], $0x2700  }
0x21: {  	_ =	swait.ge [sflag:s21], $0x2700  }
0x22: {  	[sflag:s21] =	ssyncset.done $0x0;
	s5 =	rddreg [dreg:$0x7]  }
0x23: {  	s7 =	rddreg [dreg:$0x8];
	[sflag:s21] =	ssyncadd.s32 $0xFFFFD900;
	s5 =	sshrl.u32 @!p0 s5, $0x3  }
0x24: {  	[spmem:s5], [sflag:s6] =	dma.local @!p0 [hbm:s7], $0x100  }
0x25: {  	s7 =	simm.s32 @!p0 $0x5  }
0x26: {  	_ =	swait.ge @!p0 [sflag:s7], $0x100  }
0x27: {  	[sflag:s7] =	ssyncset.done @!p0 $0x0  }
0x28: {  	[sflag:s7] =	ssyncadd.s32 @!p0 $0xFFFFFF00  }
0x29: {  	[bflag:$0x0] =	sbarrier.arrive $0xFFFF  }
0x2a: {  	s8 =	rddreg [dreg:$0x9]  }
0x2b: {  	[tilespmem:s2], [sflag:$0x5] =	stream.linear.gather [hbm4b:s8+s2], $0x80, $0x38;
	[tilespmem:$0x1C200] =	vst v63  }
0x2c: {  	_ =	swait.ge [sflag:s21], $0x80  }
0x2d: {  	[sflag:s21] =	ssyncset.done $0x0  }
0x2e: {  	s9 =	rddreg [dreg:$0xa];
	[sflag:s21] =	ssyncadd.s32 $0xFFFFFF80  }
0x2f: {  	[tilespmem:s22], [sflag:$0x2] =	stream.linear.gather [hbm4b:s9+s2], $0x4000, $0x38;
	[tilespmem:$0x1C200] =	vst v63  }
0x30: {  	_ =	swait.ge [sflag:s23], $0x4000  }
0x31: {  	[sflag:s23] =	ssyncset.done $0x0  }
0x32: {  	s10 =	sadd.s32 $0x0, s20;
	[sflag:s23] =	ssyncadd.s32 $0xFFFFC000  }
0x33: {  	[tilespmem:s24], [sflag:$0x1] =	stream.linear.gather [hbm4b:s10+s2], $0x80, $0x38;
	[tilespmem:$0x1C200] =	vst v63  }
0x34: {  	_ =	swait.ge [sflag:s25], $0x80  }
0x35: {  	[sflag:s25] =	ssyncset.done $0x0  }
0x36: {  	s11 =	sadd.s32 $0xFFFFF800, s18;
	[sflag:s25] =	ssyncadd.s32 $0xFFFFFF80  }
0x37: {  	[tilespmem:s26], [sflag:$0x3] =	stream.linear.gather [hbm4b:s11+s2], $0x4000, $0x38;
	[tilespmem:$0x1C200] =	vst v63  }
0x38: {  	_ = 	snop  }
0x39: {  	[spmem:s1] =	stream.indirect.scatter.add.f32 [tilespmem:s22], [sflag:$0x4], $0x80, s2, s24, $0xb8;
	[tilespmem:$0x1C200] =	vst v63  }
0x3a: {  	_ =	swait.ge [sflag:s28], $0x4000  }
0x3b: {  	[sflag:s28] =	ssyncset.done $0x0  }
0x3c: {  	[sflag:s28] =	ssyncadd.s32 $0xFFFFC000  }
0x3d: {  	_ =	swait.ge [sflag:s29], $0x4000  }
0x3e: {  	s12 =	sshrl.u32 s19, $0x3;
	[sflag:s29] =	ssyncset.done $0x0  }
0x3f: {  	s7 =	sadd.s32 s3, s12;
	[sflag:s29] =	ssyncadd.s32 $0xFFFFC000  }
0x40: {  	[tilespmem:s2], [sflag:$0x1] =	stream.linear.gather [hbm4b:s7+s2], $0x80, $0x38;
	[tilespmem:$0x1C200] =	vst v63  }
0x41: {  	_ =	swait.ge [sflag:s25], $0x80  }
0x42: {  	[sflag:s25] =	ssyncset.done $0x0  }
0x43: {  	[sflag:s25] =	ssyncadd.s32 $0xFFFFFF80  }
0x44: {  	[tilespmem:s22], [sflag:$0x2] =	stream.linear.gather [hbm4b:s18+s2], $0x4000, $0x38;
	[tilespmem:$0x1C200] =	vst v63  }
0x45: {  	_ = 	snop  }
0x46: {  	[spmem:s1] =	stream.indirect.scatter.add.f32 [tilespmem:s26], [sflag:$0x4], $0x80, s24, s24, $0xb8;
	[tilespmem:$0x1C200] =	vst v63  }
0x47: {  	_ =	swait.ge [sflag:s28], $0x4000  }
0x48: {  	[sflag:s28] =	ssyncset.done $0x0  }
0x49: {  	[sflag:s28] =	ssyncadd.s32 $0xFFFFC000  }
0x4a: {  	s8 =	sadd.s32 $0x100, s19;
	s9 =	simm.s32 $0x20;
	_ =	swait.ge [sflag:s23], $0x4000  }
0x4b: {  	s10 =	simm.s32 $0x40;
	s7 =	sadd.s32 $0x1000, s18;
	[sflag:s23] =	ssyncset.done $0x0  }
.LBB2_2:
0x4c: {  	s11 =	sadd.s32 s9, s20  }
0x4d: {  	[sflag:s23] =	ssyncadd.s32 $0xFFFFC000;
	s9 =	smov.u32 s10;
	s12 =	sadd.s32 $0x20, s10  }
0x4e: {  	[tilespmem:s24], [sflag:$0x1] =	stream.linear.gather [hbm4b:s11+s2], $0x80, $0x38;
	[tilespmem:$0x1C200] =	vst v63  }
0x4f: {  	p1 =	sne.s32 s10, $0x4A0;
	_ =	swait.ge [sflag:s25], $0x80  }
0x50: {  	[sflag:s25] =	ssyncset.done $0x0  }
0x51: {  	s10 =	sadd.s32 $0xFFFFF800, s7;
	[sflag:s25] =	ssyncadd.s32 $0xFFFFFF80  }
0x52: {  	[tilespmem:s26], [sflag:$0x3] =	stream.linear.gather [hbm4b:s10+s2], $0x4000, $0x38;
	[tilespmem:$0x1C200] =	vst v63  }
0x53: {  	_ = 	snop  }
0x54: {  	[spmem:s1] =	stream.indirect.scatter.add.f32 [tilespmem:s22], [sflag:$0x4], $0x80, s2, s24, $0xb8;
	[tilespmem:$0x1C200] =	vst v63  }
0x55: {  	_ =	swait.ge [sflag:s28], $0x4000  }
0x56: {  	[sflag:s28] =	ssyncset.done $0x0  }
0x57: {  	[sflag:s28] =	ssyncadd.s32 $0xFFFFC000  }
0x58: {  	_ =	swait.ge [sflag:s29], $0x4000  }
0x59: {  	s10 =	sshrl.u32 s8, $0x3;
	[sflag:s29] =	ssyncset.done $0x0  }
0x5a: {  	s10 =	sadd.s32 s3, s10;
	[sflag:s29] =	ssyncadd.s32 $0xFFFFC000  }
0x5b: {  	[tilespmem:s2], [sflag:$0x1] =	stream.linear.gather [hbm4b:s10+s2], $0x80, $0x38;
	[tilespmem:$0x1C200] =	vst v63  }
0x5c: {  	_ =	swait.ge [sflag:s25], $0x80  }
0x5d: {  	[sflag:s25] =	ssyncset.done $0x0  }
0x5e: {  	[sflag:s25] =	ssyncadd.s32 $0xFFFFFF80  }
0x5f: {  	[tilespmem:s22], [sflag:$0x2] =	stream.linear.gather [hbm4b:s7+s2], $0x4000, $0x38;
	[tilespmem:$0x1C200] =	vst v63  }
0x60: {  	_ = 	snop  }
0x61: {  	[spmem:s1] =	stream.indirect.scatter.add.f32 [tilespmem:s26], [sflag:$0x4], $0x80, s24, s24, $0xb8;
	[tilespmem:$0x1C200] =	vst v63  }
.Ltmp0:
0x62: {  	_ =	swait.ge [sflag:s28], $0x4000;
	(pc) =	sbr.rel @p1 .LBB2_2-.Ltmp0, $4  }
0x63: {  	[sflag:s28] =	ssyncset.done $0x0  }
0x64: {  	[sflag:s28] =	ssyncadd.s32 $0xFFFFC000  }
0x65: {  	s8 =	sadd.s32 $0x100, s8;
	_ =	swait.ge [sflag:s23], $0x4000  }
0x66: {  	s10 =	smov.u32 s12;
	s7 =	sadd.s32 $0x1000, s7;
	[sflag:s23] =	ssyncset.done $0x0  }
0x67: {  	s9 =	sadd.s32 s9, s20;
	[sflag:s23] =	ssyncadd.s32 $0xFFFFC000  }
0x68: {  	[tilespmem:s24], [sflag:$0x1] =	stream.linear.gather [hbm4b:s9+s2], $0x80, $0x38;
	[tilespmem:$0x1C200] =	vst v63  }
0x69: {  	_ =	swait.ge [sflag:s25], $0x80  }
0x6a: {  	[sflag:s25] =	ssyncset.done $0x0  }
0x6b: {  	s12 =	sadd.s32 $0xFFFFF800, s7;
	[sflag:s25] =	ssyncadd.s32 $0xFFFFFF80  }
0x6c: {  	[tilespmem:s26], [sflag:$0x3] =	stream.linear.gather [hbm4b:s12+s2], $0x4000, $0x38;
	[tilespmem:$0x1C200] =	vst v63  }
0x6d: {  	_ = 	snop  }
0x6e: {  	[spmem:s1] =	stream.indirect.scatter.add.f32 [tilespmem:s22], [sflag:$0x4], $0x80, s2, s24, $0xb8;
	[tilespmem:$0x1C200] =	vst v63  }
0x6f: {  	_ =	swait.ge [sflag:s28], $0x4000  }
0x70: {  	[sflag:s28] =	ssyncset.done $0x0  }
0x71: {  	[sflag:s28] =	ssyncadd.s32 $0xFFFFC000  }
0x72: {  	_ =	swait.ge [sflag:s29], $0x4000  }
0x73: {  	s8 =	sshrl.u32 s8, $0x3;
	[sflag:s29] =	ssyncset.done $0x0  }
0x74: {  	s8 =	sadd.s32 s3, s8;
	[sflag:s29] =	ssyncadd.s32 $0xFFFFC000  }
0x75: {  	[tilespmem:s2], [sflag:$0x1] =	stream.linear.gather [hbm4b:s8+s2], $0x80, $0x38;
	[tilespmem:$0x1C200] =	vst v63  }
0x76: {  	_ =	swait.ge [sflag:s25], $0x80  }
0x77: {  	[sflag:s25] =	ssyncset.done $0x0  }
0x78: {  	[sflag:s25] =	ssyncadd.s32 $0xFFFFFF80  }
0x79: {  	[tilespmem:s22], [sflag:$0x2] =	stream.linear.gather [hbm4b:s7+s2], $0x4000, $0x38;
	[tilespmem:$0x1C200] =	vst v63  }
0x7a: {  	_ = 	snop  }
0x7b: {  	[spmem:s1] =	stream.indirect.scatter.add.f32 [tilespmem:s26], [sflag:$0x4], $0x80, s24, s24, $0xb8;
	[tilespmem:$0x1C200] =	vst v63  }
0x7c: {  	_ =	swait.ge [sflag:s28], $0x4000  }
0x7d: {  	[sflag:s28] =	ssyncset.done $0x0  }
0x7e: {  	[sflag:s28] =	ssyncadd.s32 $0xFFFFC000  }
0x7f: {  	_ =	swait.ge [sflag:s23], $0x4000  }
0x80: {  	[sflag:s23] =	ssyncset.done $0x0  }
0x81: {  	[sflag:s23] =	ssyncadd.s32 $0xFFFFC000  }
0x82: {  	[tilespmem:s24], [sflag:$0x1] =	stream.linear.gather [hbm4b:s16+s2], $0x80, $0x38;
	[tilespmem:$0x1C200] =	vst v63  }
0x83: {  	_ =	swait.ge [sflag:s25], $0x80  }
0x84: {  	[sflag:s25] =	ssyncset.done $0x0  }
0x85: {  	[sflag:s25] =	ssyncadd.s32 $0xFFFFFF80  }
0x86: {  	[tilespmem:s26], [sflag:$0x3] =	stream.linear.gather [hbm4b:s17+s2], $0x4000, $0x38;
	[tilespmem:$0x1C200] =	vst v63  }
0x87: {  	_ = 	snop  }
0x88: {  	[spmem:s1] =	stream.indirect.scatter.add.f32 [tilespmem:s22], [sflag:$0x4], $0x80, s2, s24, $0xb8;
	[tilespmem:$0x1C200] =	vst v63  }
0x89: {  	_ =	swait.ge [sflag:s28], $0x4000  }
0x8a: {  	[sflag:s28] =	ssyncset.done $0x0  }
0x8b: {  	[sflag:s28] =	ssyncadd.s32 $0xFFFFC000  }
0x8c: {  	_ =	swait.ge [sflag:s29], $0x4000  }
0x8d: {  	[sflag:s29] =	ssyncset.done $0x0  }
0x8e: {  	[sflag:s29] =	ssyncadd.s32 $0xFFFFC000  }
0x8f: {  	[spmem:s1] =	stream.indirect.scatter.add.f32 [tilespmem:s26], [sflag:$0x4], $0x80, s24, s24, $0xb8;
	[tilespmem:$0x1C200] =	vst v63  }
0x90: {  	_ =	swait.ge [sflag:s28], $0x4000  }
0x91: {  	[sflag:s28] =	ssyncset.done $0x0  }
0x92: {  	s10 =	rddreg [dreg:$0xb];
	[sflag:s28] =	ssyncadd.s32 $0xFFFFC000  }
0x93: {  	[tilespmem:s30], [sflag:$0x5] =	stream.linear.gather [hbm4b:s10+s2], $0x10, $0x38;
	[tilespmem:$0x1C200] =	vst v63  }
0x94: {  	_ =	swait.ge [sflag:s21], $0x10  }
0x95: {  	[sflag:s21] =	ssyncset.done $0x0  }
0x96: {  	s11 =	rddreg [dreg:$0xc];
	[sflag:s21] =	ssyncadd.s32 $0xFFFFFFF0  }
0x97: {  	[tilespmem:s31], [sflag:$0x5] =	stream.linear.gather [hbm4b:s11+s2], $0x800, $0x38;
	[tilespmem:$0x1C200] =	vst v63  }
0x98: {  	_ =	swait.ge [sflag:s21], $0x800  }
0x99: {  	[sflag:s21] =	ssyncset.done $0x0  }
0x9a: {  	s12 =	simm.s32 $0x10;
	[sflag:s21] =	ssyncadd.s32 $0xFFFFF800  }
0x9b: {  	[spmem:s1] =	stream.indirect.scatter.add.f32 [tilespmem:s31], [sflag:$0x5], $0x80, s30, s12, $0xb8;
	[tilespmem:$0x1C200] =	vst v63  }
0x9c: {  	_ =	swait.ge [sflag:s21], $0x800  }
0x9d: {  	[sflag:s21] =	ssyncset.done $0x0  }
0x9e: {  	[sflag:s21] =	ssyncadd.s32 $0xFFFFF800  }
0x9f: {  	[bflag:$0x0] =	sbarrier.arrive $0xFFFF  }
0xa0: {  	[hbm:s13], [sflag:s6] =	dma.local [spmem:s4], $0x2700  }
0xa1: {  	s0 =	sadd.s32 $0x1, s0;
	_ =	swait.ge [sflag:s21], $0x2700  }
0xa2: {  	p1 =	sne.s32 s0, s15;
	[sflag:s21] =	ssyncset.done $0x0  }
.Ltmp1:
0xa3: {  	s4 =	simm.s32 @!p0 $0x5;
	[sflag:s21] =	ssyncadd.s32 $0xFFFFD900;
	(pc) =	sbr.rel @p1 .LBB2_1-.Ltmp1, $4  }
0xa4: {  	[hbm:s14], [sflag:s6] =	dma.local @!p0 [spmem:s5], $0x100  }
0xa5: {  	_ =	swait.ge @!p0 [sflag:s4], $0x100  }
0xa6: {  	[sflag:s4] =	ssyncset.done @!p0 $0x0  }
0xa7: {  	[sflag:s4] =	ssyncadd.s32 @!p0 $0xFFFFFF00  }
0xa8: {  	_ =	sfence.sel $0x180000  }
0xa9: {  	[bflag:$0x0] =	sbarrier.arrive $0xFFFF  }
0xaa: {  	_ =	strace $0x9000004A  }
0xab: {  	[bflag:$0x2] =	sbarrier.arrive $0xFFFF  }
0xac: {  	s0 =	rddreg [dreg:$0x4]  }
0xad: {  	s0 =	sadd.s32 @!p0 $0x100000, s0  }
0xae: {  	[sflag:s0] =	ssyncadd.tile.s32 @!p0 $0x1;
	_ =	shalt  }
.Lfunc_end2:
_tile_overlayer_lowered:
.L_overlay_start_2:
0xaf: {  	(tag) =	ssettag $0x2  }
0xb0: {  	s0 =	rddreg [dreg:$0x0];
	s2 =	stileid.u32  }
0xb1: {  	s1 =	rddreg [dreg:$0x1];
	p0 =	sne.s32 s2, $0x0  }
0xb2: {  	s3 =	rddreg [dreg:$0x2];
	[bflag:$0x3] =	sbarrier.arrive $0xFFFF;
	s2 =	simm.s32 @!p0 $0x1C05  }
0xb3: {  	[timem:s3], [sflag:s2] =	dma.local @!p0 [hbm:s0], s1  }
0xb4: {  	s0 =	simm.s32 @!p0 $0x5  }
0xb5: {  	_ =	swait.ge @!p0 [sflag:s0], s1  }
0xb6: {  	s1 =	ssub.s32 @!p0 $0x0, s1;
	[sflag:s0] =	ssyncset.done @!p0 $0x0  }
0xb7: {  	[sflag:s0] =	ssyncadd.s32 @!p0 s1  }
0xb8: {  	[bflag:$0x3] =	sbarrier.arrive $0xFFFF  }
0xb9: {  	_ =	shalt  }

// kernel: kernel.7.cloned.1.call-start
scs
__scs_entry_jumppad:
0x0: {  	(pc) =	sbr.rel $0x88, $3  }
0x1: {  	(tag) =	ssettag $0x0;
	lr =	simm.s32 $0x1  }
0x2: {  	[smem:$0x3F8A] =	sst lr;
	_ =	strace $0xD0000000  }
0x3: {  	_ = 	snop  }
0x4: {  	_ = 	snop  }
0x5: {  	_ = 	snop  }
0x6: {  	_ = 	snop  }
0x7: {  	_ = 	snop  }
__scs_overlays_trampoline_lowered:
0x8: {  	[smem:$0x3F99] =	sst s0  }
0x9: {  	[smem:$0x3F9A] =	sst s1  }
0xa: {  	[smem:$0x3F9B] =	sst s2  }
0xb: {  	[smem:$0x3F9C] =	sst s3  }
0xc: {  	[smem:$0x3F9D] =	sst s4  }
0xd: {  	[smem:$0x3F9E] =	sst s5  }
0xe: {  	[smem:$0x3F9F] =	sst s6  }
0xf: {  	[smem:$0x3FA0] =	sst s7  }
0x10: {  	[smem:$0x3FA1] =	sst s8  }
0x11: {  	[smem:$0x3FA2] =	sst s9;
	s0 =	simm.s32 @!p0 $0x0  }
0x12: {  	s1 =	sld [smem:$0x3F88];
	s0 =	simm.s32 @p0 $0x1  }
0x13: {  	[smem:$0x3FA3] =	sst s0;
	s0 =	simm.s32 @!p1 $0x0  }
0x14: {  	s2 =	sld [smem:$0x3F87];
	s0 =	simm.s32 @p1 $0x1  }
0x15: {  	[smem:$0x3FA4] =	sst s0;
	s0 =	simm.s32 @!p2 $0x0  }
0x16: {  	s3 =	sld [smem:$0x3FDB];
	s0 =	simm.s32 @p2 $0x1  }
0x17: {  	s4 =	simm.s32 $0x1BF5;
	[smem:$0x3FA6] =	sst s0  }
0x18: {  	s0 =	sld [smem:$0x3F89];
	_ =	swait.ge [sflag:s4], $0x0  }
0x19: {  	s7 =	sld [smem:$0x3F8A]  }
0x1a: {  	s8 =	sadd.s32 $0xFFFFE003, lr  }
0x1b: {  	s9 =	sadd.s32 $0xFFFFFEF7, lr;
	s5 =	simm.s32 $0xFFFFFFFF;
	p2 =	slt.u32 s8, $0xFFFFF086  }
0x1c: {  	p1 =	slt.u32 s9, $0xF7A;
	s5 =	simm.s32 @!p2 $0x0  }
0x1d: {  	s5 =	simm.s32 @p1 $0x1;
	p0 =	seq.s32 s7, s2  }
0x1e: {  	s7 =	smul.u32 @!p0 $0xF7A, s2;
	p2 =	seq.s32 @!p0 s5, $0x0  }
0x1f: {  	s9 =	smul.u32 $0xF7A, s1;
	s8 =	simm.s32 @!p0 $0x1BF5;
	p2 =	por !p2, p0  }
0x20: {  	[sflag:s8] =	ssyncset.s32 @!p0 $0xFFFFF086;
	s6 =	sadd.s32 @!p0 s3, s7;
	s7 =	simm.s32 @!p0 $0x108  }
0x21: {  	s3 =	sadd.s32 s3, s9;
	s6 =	sadd.s32 @!p0 $0x88, s6;
	s7 =	simm.s32 @p2 $0x1082  }
0x22: {  	[simem:s7], [sflag:s8] =	dma.local @!p0 [hbm:s6], $0xF7A  }
0x23: {  	s9 =	sor.u32 $0xD0000000, s2;
	s6 =	simm.s32 $0x108;
	_ =	swait.ge @!p0 [sflag:s8], $0x0  }
0x24: {  	s3 =	sadd.s32 $0x88, s3;
	s6 =	simm.s32 @!p1 $0x1082;
	[sflag:s4] =	ssyncset.s32 $0xFFFFF086  }
0x25: {  	[simem:s6], [sflag:s4] =	dma.local [hbm:s3], $0xF7A  }
0x26: {  	[smem:$0x3F8A] =	sst s1;
	(tag) =	ssettag s2;
	_ =	strace s9  }
0x27: {  	s1 =	sld [smem:$0x3F9A]  }
0x28: {  	s2 =	sld [smem:$0x3F9B]  }
0x29: {  	s4 =	sld [smem:$0x3F9D]  }
0x2a: {  	p0 =	seq.s32 s5, $0x0;
	s5 =	sld [smem:$0x3F9E]  }
0x2b: {  	s6 =	sld [smem:$0x3F9F]  }
0x2c: {  	s7 =	sld [smem:$0x3FA0]  }
0x2d: {  	s3 =	simm.s32 $0x108;
	s8 =	sld [smem:$0x3FA1]  }
0x2e: {  	s3 =	simm.s32 @!p0 $0x1082;
	s9 =	sld [smem:$0x3FA2]  }
0x2f: {  	lr =	sadd.s32 s0, s3;
	s0 =	sld [smem:$0x3F99]  }
0x30: {  	s3 =	sld [smem:$0x3F9C]  }
0x31: {  	[smem:$0x3FA5] =	sst s10  }
0x32: {  	s10 =	sld [smem:$0x3FA3];
	_ =	sdelay $0x3  }
0x33: {  	p0 =	seq.s32 s10, $0x1;
	s10 =	sld [smem:$0x3FA5];
	_ =	sdelay $0x3  }
0x34: {  	[smem:$0x3FA5] =	sst s10  }
0x35: {  	s10 =	sld [smem:$0x3FA4];
	_ =	sdelay $0x3  }
0x36: {  	p1 =	seq.s32 s10, $0x1;
	s10 =	sld [smem:$0x3FA5];
	_ =	sdelay $0x3  }
0x37: {  	[smem:$0x3FA5] =	sst s10  }
0x38: {  	s10 =	sld [smem:$0x3FA6]  }
0x39: {  	_ = 	snop;
	(pc) =	sbr.ind lr, $3  }
0x3a: {  	_ = 	snop  }
0x3b: {  	_ = 	snop  }
0x3c: {  	p2 =	seq.s32 s10, $0x1;
	s10 =	sld [smem:$0x3FA5]  }
0x3d: {  	_ =	shalt  }
0x3e: {  	_ =	shalt  }
0x3f: {  	_ =	shalt  }
0x40: {  	_ =	shalt  }
0x41: {  	_ =	shalt  }
0x42: {  	_ =	shalt  }
0x43: {  	_ =	shalt  }
0x44: {  	_ =	shalt  }
0x45: {  	_ =	shalt  }
0x46: {  	_ =	shalt  }
0x47: {  	_ =	shalt  }
0x48: {  	_ =	shalt  }
0x49: {  	_ =	shalt  }
0x4a: {  	_ =	shalt  }
0x4b: {  	_ =	shalt  }
0x4c: {  	_ =	shalt  }
0x4d: {  	_ =	shalt  }
0x4e: {  	_ =	shalt  }
0x4f: {  	_ =	shalt  }
0x50: {  	_ =	shalt  }
0x51: {  	_ =	shalt  }
0x52: {  	_ =	shalt  }
0x53: {  	_ =	shalt  }
0x54: {  	_ =	shalt  }
0x55: {  	_ =	shalt  }
0x56: {  	_ =	shalt  }
0x57: {  	_ =	shalt  }
0x58: {  	_ =	shalt  }
0x59: {  	_ =	shalt  }
0x5a: {  	_ =	shalt  }
0x5b: {  	_ =	shalt  }
0x5c: {  	_ =	shalt  }
0x5d: {  	_ =	shalt  }
0x5e: {  	_ =	shalt  }
0x5f: {  	_ =	shalt  }
0x60: {  	_ =	shalt  }
0x61: {  	_ =	shalt  }
0x62: {  	_ =	shalt  }
0x63: {  	_ =	shalt  }
0x64: {  	_ =	shalt  }
0x65: {  	_ =	shalt  }
0x66: {  	_ =	shalt  }
0x67: {  	_ =	shalt  }
0x68: {  	_ =	shalt  }
0x69: {  	_ =	shalt  }
0x6a: {  	_ =	shalt  }
0x6b: {  	_ =	shalt  }
0x6c: {  	_ =	shalt  }
0x6d: {  	_ =	shalt  }
0x6e: {  	_ =	shalt  }
0x6f: {  	_ =	shalt  }
0x70: {  	_ =	shalt  }
0x71: {  	_ =	shalt  }
0x72: {  	_ =	shalt  }
0x73: {  	_ =	shalt  }
0x74: {  	_ =	shalt  }
0x75: {  	_ =	shalt  }
0x76: {  	_ =	shalt  }
0x77: {  	_ =	shalt  }
0x78: {  	_ =	shalt  }
0x79: {  	_ =	shalt  }
0x7a: {  	_ =	shalt  }
0x7b: {  	_ =	shalt  }
0x7c: {  	_ =	shalt  }
0x7d: {  	_ =	shalt  }
0x7e: {  	_ =	shalt  }
0x7f: {  	_ =	shalt  }
0x80: {  	_ =	shalt  }
0x81: {  	_ =	shalt  }
0x82: {  	_ =	shalt  }
0x83: {  	_ =	shalt  }
0x84: {  	_ =	shalt  }
0x85: {  	_ =	shalt  }
0x86: {  	_ =	shalt  }
0x87: {  	_ =	shalt  }
.Lfunc_end0:
.L_simem_size_0:
called_computation_lowered:
.L_overlay_start_0:
0x88: {  	s2 =	sld [smem:$0x3FD9]  }
0x89: {  	s3 =	sld [smem:$0x3FFE];
	_ =	sdelay $0x1  }
0x8a: {  	s1 =	srdreg.scid  }
0x8b: {  	s0 =	sand.u32 $0x1, s1  }
0x8c: {  	s14 =	sshll.u32 s0, $0xA;
	s2 =	sadd.s32 s3, s2  }
0x8d: {  	s2 =	sadd.s32 s2, s14  }
0x8e: {  	[smem:$0x3FB1] =	sst s2  }
0x8f: {  	_ = 	snop  }
0x90: {  	s2 =	sld [smem:$0x3FD0];
	_ =	sdelay $0x2  }
0x91: {  	s15 =	simm.s32 $0xA;
	s4 =	simm.s32 $0x10  }
0x92: {  	[smem:s4], [sflag:s15] =	dma.local [hbm:s2], $0x1  }
0x93: {  	_ =	swait.eq [sflag:s15], $0x1  }
0x94: {  	[sflag:s15] =	ssyncset.done $0x0  }
0x95: {  	s16 =	sld [smem:$0x10];
	[sflag:s15] =	ssyncadd.s32 $0xFFFFFFFF  }
0x96: {  	s17 =	sld [smem:$0x11];
	(tm) =	ssettm $0x1  }
0x97: {  	s18 =	sld [smem:$0x3FFB];
	_ =	sdelay $0x3  }
0x98: {  	_ =	strace s18  }
0x99: {  	s4 =	sld [smem:$0x3FFC];
	_ =	sdelay $0x3  }
0x9a: {  	_ =	strace s4  }
0x9b: {  	s4 =	sld [smem:$0x3FFD];
	_ =	sdelay $0x3  }
0x9c: {  	_ =	strace s4  }
0x9d: {  	_ =	strace $0x8FFFFFFF  }
0x9e: {  	s19 =	sld [smem:$0x3FDB];
	_ =	sdelay $0x1  }
0x9f: {  	s5 =	simm.s32 $_scs_section_size  }
0xa0: {  	s6 =	simm.s32 $_size__tile_overlayer_lowered;
	s7 =	simm.s32 $_tile_overlayer_lowered  }
0xa1: {  	s22 =	simm.s32 $0x1BFF;
	s21 =	sshll.u32 s7, $0x1;
	s4 =	sadd.s32 s5, s19  }
0xa2: {  	s8 =	simm.s32 $0x0;
	s20 =	sshll.u32 s6, $0x1;
	s6 =	sadd.s32 s21, s4  }
0xa3: {  	[timem:s8], [sflag:s22] =	dma.local [hbm:s6], s20  }
0xa4: {  	_ =	swait.ge [sflag:s22], s20  }
0xa5: {  	s5 =	ssub.s32 $0x0, s20;
	[sflag:s22] =	ssyncset.done $0x0  }
0xa6: {  	[sflag:s22] =	ssyncadd.s32 s5;
	_ =	sdelay $0x1  }
0xa7: {  	s23 =	simm.s32 $0x1B8B  }
0xa8: {  	_ =	swait.ge [sflag:s23], $0x1  }
0xa9: {  	[sflag:s23] =	ssyncset.done $0x0  }
0xaa: {  	s25 =	simm.s32 $0x1B8E;
	s24 =	sld [smem:$0x3FFE];
	[sflag:s23] =	ssyncadd.s32 $0xFFFFFFFF  }
0xab: {  	s26 =	simm.s32 $execute0_lowered;
	[smem:$0x3FD2] =	sst s25  }
0xac: {  	s6 =	sshll.u32 s26, $0x1;
	_ =	strace $0x80000046;
	[dreg:$0x1] =	wrdreg $0xFFFFFFFF  }
0xad: {  	s28 =	simm.s32 $_size_execute0_lowered;
	s4 =	sadd.s32 s4, s6;
	[dreg:$0x0] =	wrdreg $0x0  }
0xae: {  	s6 =	sshll.u32 s28, $0x1;
	[dreg:$0x2] =	wrdreg s4  }
0xaf: {  	[dreg:$0x3] =	wrdreg s6  }
0xb0: {  	[dreg:$0x4] =	wrdreg $0xC0  }
0xb1: {  	_ =	task [dreg:s8], $0x5FFFF  }
0xb2: {  	[dreg:$0x1] =	wrdreg $0xFFFFFFFF  }
0xb3: {  	[dreg:$0x0] =	wrdreg $0x60  }
0xb4: {  	[dreg:$0x2] =	wrdreg s16  }
0xb5: {  	[dreg:$0x3] =	wrdreg s17  }
0xb6: {  	[dreg:$0x4] =	wrdreg s24  }
0xb7: {  	[dreg:$0x5] =	wrdreg $0x9  }
0xb8: {  	_ =	task.clear_ibuf [dreg:s8], $0x6FFFF;
	_ =	strace $0x90000046  }
0xb9: {  	s29 =	simm.s32 $0x9;
	_ =	strace $0x80000048  }
0xba: {  	_ =	swait.ge [sflag:s29], $0x1  }
0xbb: {  	[sflag:s29] =	ssyncadd.s32 $0xFFFFFFFF  }
0xbc: {  	_ =	strace $0x90000048  }
0xbd: {  	_ =	sfence  }
0xbe: {  	s30 =	sld [smem:$0x0];
	_ =	sdelay $0x2  }
0xbf: {  	s31 =	sshll.u32 s1, $0xD;
	s1 =	sshrl.u32 s1, $0x2  }
0xc0: {  	s3 =	sand.u32 $0x4000, s31;
	s1 =	sadd.s32 s1, s30  }
0xc1: {  	s0 =	sor.u32 s3, s0;
	s1 =	sshll.u32 s1, $0x11  }
0xc2: {  	s0 =	sor.u32 s1, s0  }
0xc3: {  	s0 =	sadd.s32 $0x8F2B, s0  }
0xc4: {  	[sflag:s0] =	ssyncadd.remote.s32 $0x1  }
0xc5: {  	_ =	sfence.sel $0xFFFF  }
0xc6: {  	[dreg:$0x0] =	wrdreg $0xFFFFFFFF;
	(pc) =	sbr.abs _section_cstart, $3  }
0xc7: {  	[dreg:$0x1] =	wrdreg $0xFFFFFFFF  }
0xc8: {  	_ =	task.clear_ibuf [dreg:s8], $0x2FFFF;
	_ =	strace $0x9FFFFFFF  }
0xc9: {  	(tm) =	ssettm $0x7FFFFFFF  }
tec
execute0_lowered:
.L_overlay_start_1:
0x0: {  	(tag) =	ssettag $0x1  }
0x1: {  	s1 =	rddreg [dreg:$0x0]  }
0x2: {  	s3 =	rddreg [dreg:$0x1];
	s0 =	srdreg.scid  }
0x3: {  	s4 =	stileid.u32;
	s2 =	rddreg [dreg:$0x2]  }
0x4: {  	s14 =	simm.s32 $0x3;
	s15 =	simm.s32 $0x200;
	s16 =	simm.s32 $0xC8  }
0x5: {  	s17 =	simm.s32 $0x400;
	s19 =	simm.s32 $0x100;
	s20 =	simm.s32 $0x300  }
0x6: {  	s21 =	simm.s32 $0xCC00;
	s22 =	simm.s32 $0x13000;
	s23 =	simm.s32 $0x1  }
0x7: {  	s24 =	simm.s32 $0x2;
	s25 =	simm.s32 $0x4;
	s26 =	simm.s32 $0x5  }
0x8: {  	s28 =	simm.s32 $0x0;
	s0 =	sand.u32 $0x1, s0;
	s5 =	sshll.u32 s4, $0x1  }
0x9: {  	s4 =	simm.s32 $0x0;
	s6 =	sadd.s32 $0x3600, s2;
	s5 =	sor.u32 s0, s5  }
0xa: {  	s7 =	sadd.s32 $0xD400, s2;
	s0 =	ssub.s32 $0x2, s0;
	s5 =	smul.u32 $0x2710, s5  }
0xb: {  	s8 =	sadd.s32 $0x17200, s2;
	[smem:$0x7FF] =	sst s4;
	s9 =	sshrl.u32 s0, $0x1  }
0xc: {  	_ =	strace $0x80000047;
	s0 =	ssub.s32 s0, s9;
	s10 =	sshrl.u32 s5, $0x3  }
0xd: {  	s11 =	sadd.s32 $0xC8, s5;
	s12 =	sadd.s32 $0x190, s5;
	s31 =	sadd.s32 s6, s10  }
0xe: {  	s13 =	smax.u32 s0, $0x1;
	s10 =	sadd.s32 s7, s10;
	[dreg:$0x4] =	wrdreg s31  }
.LBB2_1:
0xf: {  	s0 =	rddreg [dreg:$0x4]  }
0x10: {  	[tilespmem:s4], [sflag:$0x3] =	stream.linear.gather [hbm4b:s0+s4], $0xC8, $0x38;
	[tilespmem:$0x19400] =	vst v63  }
0x11: {  	_ =	swait.ge [sflag:s14], $0xC8  }
0x12: {  	[sflag:s14] =	ssyncset.done $0x0  }
0x13: {  	[sflag:s14] =	ssyncadd.s32 $0xFFFFFF38  }
0x14: {  	[tilespmem:s15], [sflag:$0x3] =	stream.linear.gather [hbm4b:s10+s4], $0xC8, $0x38;
	[tilespmem:$0x19400] =	vst v63  }
0x15: {  	_ =	swait.ge [sflag:s14], $0xC8  }
0x16: {  	[sflag:s14] =	ssyncset.done $0x0  }
0x17: {  	[sflag:s14] =	ssyncadd.s32 $0xFFFFFF38  }
0x18: {  	[tilespmem:s17], [sflag:$0x1] =	stream.indirect.gather [hbm4b:s1+s16], $0x80, s4, s16, $0xb8;
	[tilespmem:$0x19400] =	vst v63  }
0x19: {  	s31 =	simm.s32 $0x6800;
	s30 =	simm.s32 $0x0  }
0x1a: {  	[tilespmem:s31], [sflag:$0x1] =	stream.indirect.gather [hbm4b:s3+s16], $0x80, s15, s16, $0xb8;
	[tilespmem:$0x19400] =	vst v63  }
.LBB2_2:
0x1b: {  	s31 =	smul.u32 $0x190, s30;
	p0 =	seq.s32 s30, $0x0  }
0x1c: {  	s0 =	simm.s32 @!p0 $0x5  }
0x1d: {  	s29 =	sadd.s32 s31, s11;
	_ =	swait.ge @!p0 [sflag:s0], $0x6400  }
0x1e: {  	[sflag:s0] =	ssyncset.done @!p0 $0x0;
	s2 =	sshrl.u32 s29, $0x3  }
0x1f: {  	s18 =	simm.s32 $0x0;
	[sflag:s0] =	ssyncadd.s32 @!p0 $0xFFFF9C00;
	s9 =	sadd.s32 s6, s2  }
0x20: {  	[tilespmem:s19], [sflag:$0x3] =	stream.linear.gather [hbm4b:s9+s18], $0xC8, $0x38;
	[tilespmem:$0x19400] =	vst v63  }
0x21: {  	_ =	swait.ge [sflag:s14], $0xC8  }
0x22: {  	[sflag:s14] =	ssyncset.done $0x0  }
0x23: {  	s9 =	sadd.s32 s7, s2;
	[sflag:s14] =	ssyncadd.s32 $0xFFFFFF38  }
0x24: {  	[tilespmem:s20], [sflag:$0x3] =	stream.linear.gather [hbm4b:s9+s18], $0xC8, $0x38;
	[tilespmem:$0x19400] =	vst v63  }
0x25: {  	_ =	swait.ge [sflag:s14], $0xC8  }
0x26: {  	[sflag:s14] =	ssyncset.done $0x0  }
0x27: {  	[sflag:s14] =	ssyncadd.s32 $0xFFFFFF38  }
0x28: {  	[tilespmem:s21], [sflag:$0x2] =	stream.indirect.gather [hbm4b:s1+s16], $0x80, s19, s16, $0xb8;
	[tilespmem:$0x19400] =	vst v63  }
0x29: {  	_ = 	snop  }
0x2a: {  	[tilespmem:s22], [sflag:$0x2] =	stream.indirect.gather [hbm4b:s3+s16], $0x80, s20, s16, $0xb8;
	[tilespmem:$0x19400] =	vst v63  }
0x2b: {  	_ =	swait.ge [sflag:s23], $0x6400  }
0x2c: {  	[sflag:s23] =	ssyncset.done $0x0  }
0x2d: {  	[sflag:s23] =	ssyncadd.s32 $0xFFFF9C00  }
0x2e: {  	_ =	swait.ge [sflag:s23], $0x6400  }
0x2f: {  	[sflag:s23] =	ssyncset.done $0x0  }
0x30: {  	s2 =	simm.s32 $0x0;
	[sflag:s23] =	ssyncadd.s32 $0xFFFF9C00  }
0x31: {  	v7 =	vld [tilespmem:s2+$0x6800]  }
0x32: {  	v11 =	vld [tilespmem:s2+$0x6810]  }
0x33: {  	v5 =	vld [tilespmem:s2+$0x6820]  }
0x34: {  	v4 =	vld [tilespmem:s2+$0x6830]  }
0x35: {  	v3 =	vld [tilespmem:s2+$0x6840]  }
0x36: {  	v2 =	vld [tilespmem:s2+$0x6850]  }
0x37: {  	v1 =	vld [tilespmem:s2+$0x6860]  }
0x38: {  	v0 =	vld [tilespmem:s2+$0x6870]  }
0x39: {  	v12 =	vld [tilespmem:s2+$0x400]  }
0x3a: {  	v13 =	vld [tilespmem:s2+$0x410]  }
0x3b: {  	v10 =	vld [tilespmem:s2+$0x420]  }
0x3c: {  	v9 =	vld [tilespmem:s2+$0x430]  }
0x3d: {  	v8 =	vld [tilespmem:s2+$0x440]  }
0x3e: {  	v6 =	vld [tilespmem:s2+$0x450];
	v12 =	vadd.f32 v7, v12  }
0x3f: {  	s0 =	sadd.s32 s5, s31;
	s18 =	simm.s32 $0x200;
	v11 =	vadd.f32 v11, v13;
	v7 =	vld [tilespmem:s2+$0x460]  }
.LBB2_3:
0x40: {  	s9 =	sshra.s32 s18, $0x2;
	p0 =	sne.s32 s18, $0x18E00;
	[tilespmem:s2+$0x400] =	vst v12;
	v5 =	vadd.f32 v5, v10;
	v10 =	vld [tilespmem:s2+$0x470]  }
0x41: {  	v12 =	vld [tilespmem:s9+$0x6800];
	[tilespmem:s2+$0x410] =	vst v11;
	v4 =	vadd.f32 v4, v9  }
0x42: {  	v11 =	vld [tilespmem:s9+$0x6810];
	[tilespmem:s2+$0x420] =	vst v5;
	v3 =	vadd.f32 v3, v8  }
0x43: {  	v5 =	vld [tilespmem:s9+$0x6820];
	[tilespmem:s2+$0x430] =	vst v4;
	v2 =	vadd.f32 v2, v6  }
0x44: {  	v4 =	vld [tilespmem:s9+$0x6830];
	[tilespmem:s2+$0x440] =	vst v3;
	v1 =	vadd.f32 v1, v7  }
0x45: {  	v3 =	vld [tilespmem:s9+$0x6840];
	[tilespmem:s2+$0x450] =	vst v2;
	v0 =	vadd.f32 v0, v10  }
0x46: {  	v2 =	vld [tilespmem:s9+$0x6850];
	[tilespmem:s2+$0x460] =	vst v1  }
0x47: {  	v1 =	vld [tilespmem:s9+$0x6860];
	[tilespmem:s2+$0x470] =	vst v0;
	s2 =	smov.u32 s9  }
0x48: {  	v0 =	vld [tilespmem:s2+$0x6870]  }
0x49: {  	v6 =	vld [tilespmem:s2+$0x400]  }
0x4a: {  	v7 =	vld [tilespmem:s2+$0x410]  }
.Ltmp0:
0x4b: {  	v10 =	vld [tilespmem:s2+$0x420];
	(pc) =	sbr.rel @p0 .LBB2_3-.Ltmp0, $4  }
0x4c: {  	v9 =	vld [tilespmem:s2+$0x430]  }
0x4d: {  	v8 =	vld [tilespmem:s2+$0x440]  }
0x4e: {  	v12 =	vadd.f32 v12, v6;
	v6 =	vld [tilespmem:s2+$0x450]  }
0x4f: {  	s18 =	sadd.s32 $0x200, s18;
	v11 =	vadd.f32 v11, v7;
	v7 =	vld [tilespmem:s2+$0x460]  }
0x50: {  	[tilespmem:s2+$0x400] =	vst v12;
	v5 =	vadd.f32 v5, v10;
	v10 =	vld [tilespmem:s2+$0x470]  }
0x51: {  	[tilespmem:s2+$0x410] =	vst v11;
	v4 =	vadd.f32 v4, v9  }
0x52: {  	[tilespmem:s2+$0x420] =	vst v5;
	v3 =	vadd.f32 v3, v8  }
0x53: {  	[tilespmem:s2+$0x430] =	vst v4;
	v2 =	vadd.f32 v2, v6  }
0x54: {  	[tilespmem:s2+$0x440] =	vst v3;
	v1 =	vadd.f32 v1, v7  }
0x55: {  	[tilespmem:s2+$0x450] =	vst v2;
	v0 =	vadd.f32 v0, v10  }
0x56: {  	s0 =	sshll.u32 s0, $0x4;
	[tilespmem:s2+$0x460] =	vst v1  }
0x57: {  	p0 =	seq.s32 s30, $0x18;
	s0 =	sadd.s32 s8, s0;
	[tilespmem:s2+$0x470] =	vst v0  }
0x58: {  	[hbm4b:s0+s4] =	stream.linear.scatter [tilespmem:s17], [sflag:$0x4], $0x6400, $0x38;
	[tilespmem:$0x19400] =	vst v63  }
0x59: {  	s0 =	sadd.s32 @!p0 s31, s12  }
0x5a: {  	s0 =	sshrl.u32 @!p0 s0, $0x3  }
0x5b: {  	s9 =	simm.s32 @!p0 $0x0;
	s2 =	sadd.s32 @!p0 s6, s0  }
0x5c: {  	[tilespmem:s9], [sflag:$0x3] =	stream.linear.gather @!p0 [hbm4b:s2+s9], $0xC8, $0x38;
	[tilespmem:$0x19400] =	vst v63  }
0x5d: {  	s2 =	simm.s32 @!p0 $0x3  }
0x5e: {  	_ =	swait.ge @!p0 [sflag:s2], $0xC8  }
0x5f: {  	[sflag:s2] =	ssyncset.done @!p0 $0x0  }
0x60: {  	s18 =	simm.s32 @!p0 $0x200;
	s0 =	sadd.s32 @!p0 s7, s0;
	[sflag:s2] =	ssyncadd.s32 @!p0 $0xFFFFFF38  }
0x61: {  	[tilespmem:s18], [sflag:$0x3] =	stream.linear.gather @!p0 [hbm4b:s0+s9], $0xC8, $0x38;
	[tilespmem:$0x19400] =	vst v63  }
0x62: {  	_ =	swait.ge @!p0 [sflag:s2], $0xC8  }
0x63: {  	[sflag:s2] =	ssyncset.done @!p0 $0x0  }
0x64: {  	s0 =	simm.s32 @!p0 $0x4;
	[sflag:s2] =	ssyncadd.s32 @!p0 $0xFFFFFF38  }
0x65: {  	_ =	swait.ge @!p0 [sflag:s0], $0x6400  }
0x66: {  	[sflag:s0] =	ssyncset.done @!p0 $0x0  }
0x67: {  	s2 =	simm.s32 @!p0 $0x400;
	[sflag:s0] =	ssyncadd.s32 @!p0 $0xFFFF9C00;
	s0 =	simm.s32 @!p0 $0xC8  }
0x68: {  	[tilespmem:s2], [sflag:$0x1] =	stream.indirect.gather @!p0 [hbm4b:s1+s0], $0x80, s9, s0, $0xb8;
	[tilespmem:$0x19400] =	vst v63  }
0x69: {  	s2 =	simm.s32 @!p0 $0x6800  }
0x6a: {  	[tilespmem:s2], [sflag:$0x1] =	stream.indirect.gather @!p0 [hbm4b:s3+s0], $0x80, s18, s0, $0xb8;
	[tilespmem:$0x19400] =	vst v63  }
0x6b: {  	_ =	swait.ge [sflag:s24], $0x6400  }
0x6c: {  	[sflag:s24] =	ssyncset.done $0x0  }
0x6d: {  	[sflag:s24] =	ssyncadd.s32 $0xFFFF9C00  }
0x6e: {  	_ =	swait.ge [sflag:s24], $0x6400  }
0x6f: {  	[sflag:s24] =	ssyncset.done $0x0  }
0x70: {  	s2 =	simm.s32 $0x0;
	[sflag:s24] =	ssyncadd.s32 $0xFFFF9C00  }
0x71: {  	v7 =	vld [tilespmem:s2+$0x13000]  }
0x72: {  	v11 =	vld [tilespmem:s2+$0x13010]  }
0x73: {  	v5 =	vld [tilespmem:s2+$0x13020]  }
0x74: {  	v4 =	vld [tilespmem:s2+$0x13030]  }
0x75: {  	v3 =	vld [tilespmem:s2+$0x13040]  }
0x76: {  	v2 =	vld [tilespmem:s2+$0x13050]  }
0x77: {  	v1 =	vld [tilespmem:s2+$0x13060]  }
0x78: {  	v0 =	vld [tilespmem:s2+$0x13070]  }
0x79: {  	v12 =	vld [tilespmem:s2+$0xCC00]  }
0x7a: {  	v13 =	vld [tilespmem:s2+$0xCC10]  }
0x7b: {  	v10 =	vld [tilespmem:s2+$0xCC20]  }
0x7c: {  	v9 =	vld [tilespmem:s2+$0xCC30]  }
0x7d: {  	v8 =	vld [tilespmem:s2+$0xCC40]  }
0x7e: {  	v6 =	vld [tilespmem:s2+$0xCC50];
	v12 =	vadd.f32 v7, v12  }
0x7f: {  	s30 =	sadd.s32 $0x1, s30;
	s0 =	simm.s32 $0x200;
	v11 =	vadd.f32 v11, v13;
	v7 =	vld [tilespmem:s2+$0xCC60]  }
.LBB2_5:
0x80: {  	s9 =	sshra.s32 s0, $0x2;
	p0 =	sne.s32 s0, $0x18E00;
	[tilespmem:s2+$0xCC00] =	vst v12;
	v5 =	vadd.f32 v5, v10;
	v10 =	vld [tilespmem:s2+$0xCC70]  }
0x81: {  	v12 =	vld [tilespmem:s9+$0x13000];
	[tilespmem:s2+$0xCC10] =	vst v11;
	v4 =	vadd.f32 v4, v9  }
0x82: {  	v11 =	vld [tilespmem:s9+$0x13010];
	[tilespmem:s2+$0xCC20] =	vst v5;
	v3 =	vadd.f32 v3, v8  }
0x83: {  	v5 =	vld [tilespmem:s9+$0x13020];
	[tilespmem:s2+$0xCC30] =	vst v4;
	v2 =	vadd.f32 v2, v6  }
0x84: {  	v4 =	vld [tilespmem:s9+$0x13030];
	[tilespmem:s2+$0xCC40] =	vst v3;
	v1 =	vadd.f32 v1, v7  }
0x85: {  	v3 =	vld [tilespmem:s9+$0x13040];
	[tilespmem:s2+$0xCC50] =	vst v2;
	v0 =	vadd.f32 v0, v10  }
0x86: {  	v2 =	vld [tilespmem:s9+$0x13050];
	[tilespmem:s2+$0xCC60] =	vst v1  }
0x87: {  	v1 =	vld [tilespmem:s9+$0x13060];
	[tilespmem:s2+$0xCC70] =	vst v0;
	s2 =	smov.u32 s9  }
0x88: {  	v0 =	vld [tilespmem:s2+$0x13070]  }
0x89: {  	v6 =	vld [tilespmem:s2+$0xCC00]  }
0x8a: {  	v7 =	vld [tilespmem:s2+$0xCC10]  }
.Ltmp1:
0x8b: {  	v10 =	vld [tilespmem:s2+$0xCC20];
	(pc) =	sbr.rel @p0 .LBB2_5-.Ltmp1, $4  }
0x8c: {  	v9 =	vld [tilespmem:s2+$0xCC30]  }
0x8d: {  	v8 =	vld [tilespmem:s2+$0xCC40]  }
0x8e: {  	v12 =	vadd.f32 v12, v6;
	v6 =	vld [tilespmem:s2+$0xCC50]  }
0x8f: {  	s0 =	sadd.s32 $0x200, s0;
	v11 =	vadd.f32 v11, v7;
	v7 =	vld [tilespmem:s2+$0xCC60]  }
0x90: {  	[tilespmem:s2+$0xCC00] =	vst v12;
	v5 =	vadd.f32 v5, v10;
	v63 =	vld [tilespmem:s2+$0xCC70]  }
0x91: {  	[tilespmem:s2+$0xCC10] =	vst v11;
	v4 =	vadd.f32 v4, v9  }
0x92: {  	[tilespmem:s2+$0xCC20] =	vst v5;
	v3 =	vadd.f32 v3, v8  }
0x93: {  	p0 =	sne.s32 s30, $0x19;
	[tilespmem:s2+$0xCC30] =	vst v4;
	v2 =	vadd.f32 v2, v6  }
.Ltmp2:
0x94: {  	[tilespmem:s2+$0xCC40] =	vst v3;
	v1 =	vadd.f32 v1, v7;
	(pc) =	sbr.rel @p0 .LBB2_2-.Ltmp2, $4  }
0x95: {  	[tilespmem:s2+$0xCC50] =	vst v2;
	v0 =	vadd.f32 v0, v63  }
0x96: {  	s0 =	sshll.u32 s29, $0x4;
	[tilespmem:s2+$0xCC60] =	vst v1  }
0x97: {  	s0 =	sadd.s32 s8, s0;
	[tilespmem:s2+$0xCC70] =	vst v0  }
0x98: {  	[hbm4b:s0+s4] =	stream.linear.scatter [tilespmem:s21], [sflag:$0x5], $0x6400, $0x38;
	[tilespmem:$0x19400] =	vst v63  }
0x99: {  	s28 =	sadd.s32 $0x1, s28  }
0x9a: {  	_ =	swait.ge [sflag:s25], $0x6400;
	p0 =	sne.s32 s28, s13  }
.Ltmp3:
0x9b: {  	[sflag:s25] =	ssyncset.done $0x0;
	(pc) =	sbr.rel @p0 .LBB2_1-.Ltmp3, $4  }
0x9c: {  	[sflag:s25] =	ssyncadd.s32 $0xFFFF9C00  }
0x9d: {  	_ =	swait.ge [sflag:s26], $0x6400  }
0x9e: {  	[sflag:s26] =	ssyncset.done $0x0  }
0x9f: {  	[sflag:s26] =	ssyncadd.s32 $0xFFFF9C00  }
0xa0: {  	_ =	sfence.sel $0x180000  }
0xa1: {  	[bflag:$0x0] =	sbarrier.arrive $0xFFFF  }
0xa2: {  	_ =	strace $0x90000047  }
0xa3: {  	s0 =	stileid.u32;
	[bflag:$0x2] =	sbarrier.arrive $0xFFFF  }
0xa4: {  	p0 =	sne.s32 s0, $0x0;
	s0 =	rddreg [dreg:$0x3]  }
0xa5: {  	s0 =	sadd.s32 @!p0 $0x100000, s0  }
0xa6: {  	[sflag:s0] =	ssyncadd.tile.s32 @!p0 $0x1;
	_ =	shalt  }
.Lfunc_end2:
_tile_overlayer_lowered:
.L_overlay_start_2:
0xa7: {  	(tag) =	ssettag $0x2  }
0xa8: {  	s0 =	rddreg [dreg:$0x0];
	s2 =	stileid.u32  }
0xa9: {  	s1 =	rddreg [dreg:$0x1];
	p0 =	sne.s32 s2, $0x0  }
0xaa: {  	s3 =	rddreg [dreg:$0x2];
	[bflag:$0x3] =	sbarrier.arrive $0xFFFF;
	s2 =	simm.s32 @!p0 $0x1C06  }
0xab: {  	[timem:s3], [sflag:s2] =	dma.local @!p0 [hbm:s0], s1  }
0xac: {  	s0 =	simm.s32 @!p0 $0x6  }
0xad: {  	_ =	swait.ge @!p0 [sflag:s0], s1  }
0xae: {  	s1 =	ssub.s32 @!p0 $0x0, s1;
	[sflag:s0] =	ssyncset.done @!p0 $0x0  }
0xaf: {  	[sflag:s0] =	ssyncadd.s32 @!p0 s1  }
0xb0: {  	[bflag:$0x3] =	sbarrier.arrive $0xFFFF  }
0xb1: {  	_ =	shalt  }

</sc_bundles>
